<compile_context>
chip_gen: v7x
topology: tpu7x:2x2x1
jax: 0.10.2.dev20260603
libtpu: 0.0.44.dev20260713+nightly
codegen_flags: <defaults>
</compile_context>

<pallas_src>
import jax
import jax.numpy as jnp
from jax import lax
from jax.experimental import pallas as pl
from jax.experimental.pallas import tpu as pltpu
from jax.experimental.pallas import tpu_sc as plsc

_NUM_CORES = 2
_NUM_SUBCORES = 16
_NW = _NUM_CORES * _NUM_SUBCORES
_IDXROW = 128
_CHUNK = 64
_NSLOT = 4
_SUB = _IDXROW // _CHUNK


def _gather_body(table_hbm, idx_hbm, out_hbm, idx_v, rows_v, tab_sh, sg, so):
    sid = lax.axis_index("s")
    wid = sid * _NUM_CORES + lax.axis_index("c")
    nrow = idx_v.shape[0]
    nq = nrow * _SUB
    pltpu.sync_copy(idx_hbm.at[wid], idx_v)
    tab_rows = table_hbm.shape[0] // _NUM_SUBCORES
    pltpu.sync_copy(
        table_hbm.at[pl.ds(sid * tab_rows, tab_rows)],
        tab_sh.at[pl.ds(sid * tab_rows, tab_rows)],
    )
    plsc.subcore_barrier()

    def idx_slice(q, db):
        return idx_v.at[q // _SUB, pl.ds((db % _SUB) * _CHUNK, _CHUNK)]

    def start_gather(q, db, b):
        pltpu.make_async_copy(
            tab_sh.at[idx_slice(q, db)], rows_v.at[b], sg.at[b]
        ).start()

    def wait_gather(q, db, b):
        pltpu.make_async_copy(
            tab_sh.at[idx_slice(q, db)], rows_v.at[b], sg.at[b]
        ).wait()

    def start_out(q, b):
        pltpu.make_async_copy(
            rows_v.at[b], out_hbm.at[wid, pl.ds(q * _CHUNK, _CHUNK)], so.at[b]
        ).start()

    def wait_out(b):
        pltpu.make_async_copy(
            rows_v.at[b], out_hbm.at[wid, pl.ds(0, _CHUNK)], so.at[b]
        ).wait()

    for q in range(_NSLOT - 1):
        start_gather(q, q, q)

    for db in range(_NSLOT):
        nb = (db + _NSLOT - 1) % _NSLOT
        if db >= 1:
            wait_out(nb)
        start_gather(db + _NSLOT - 1, db + _NSLOT - 1, nb)
        wait_gather(db, db, db)
        start_out(db, db)

    def body(q0, carry):
        for db in range(_NSLOT):
            q = q0 + db
            nb = (db + _NSLOT - 1) % _NSLOT
            wait_out(nb)
            start_gather(q + _NSLOT - 1, db + _NSLOT - 1, nb)
            wait_gather(q, db, db)
            start_out(q, db)
        return carry

    lax.fori_loop(
        1, nq // _NSLOT - 1, lambda i, c: body(i * _NSLOT, c), 0
    )

    for db in range(_NSLOT):
        q = nq - _NSLOT + db
        nb = (db + _NSLOT - 1) % _NSLOT
        if db == 0:
            wait_out(nb)
            start_gather(q + _NSLOT - 1, db + _NSLOT - 1, nb)
        wait_gather(q, db, db)
        start_out(q, db)

    for b in range(_NSLOT):
        wait_out(b)


def kernel(input_text, encodings_weight):
    batch, seq = input_text.shape
    emb = encodings_weight.shape[1]
    n = batch * seq
    per_w = n // _NW
    nrow = per_w // _IDXROW
    assert per_w * _NW == n and nrow * _IDXROW == per_w
    assert (nrow * _SUB) % _NSLOT == 0 and _NSLOT % _SUB == 0

    idx = input_text.reshape(_NW, nrow, _IDXROW).astype(jnp.int32)
    mesh = plsc.VectorSubcoreMesh(core_axis_name="c", subcore_axis_name="s")
    out = pl.kernel(
        _gather_body,
        out_type=jax.ShapeDtypeStruct((_NW, per_w, emb), jnp.float32),
        mesh=mesh,
        scratch_types=[
            pltpu.VMEM((nrow, _IDXROW), jnp.int32),
            pltpu.VMEM((_NSLOT, _CHUNK, emb), jnp.float32),
            pltpu.VMEM_SHARED((encodings_weight.shape[0], emb), jnp.float32),
            pltpu.SemaphoreType.DMA((_NSLOT,)),
            pltpu.SemaphoreType.DMA((_NSLOT,)),
        ],
    )(encodings_weight, idx)
    return out.reshape(batch, seq, emb)

# --- scband reference (transcript-rebuilt; emitter-appended) ---
"""Pipeline reference for scband-positional-encodings-59176059404567 (READ-ONLY COPY).

The authoritative reference and input builder live on the scoring server;
editing this copy changes nothing except your own understanding.
"""

import jax, jax.numpy as jnp
import numpy as np

MAX_SEQ_LEN = 8192
EMBED_DIM = 128
BATCH = 4096
SEQ = 200

def setup_inputs(seed: int = 0) -> dict:
    key = jax.random.key(seed)
    k_idx, k_tab = jax.random.split(key)
    input_text = jax.random.randint(k_idx, (BATCH, SEQ), 0, MAX_SEQ_LEN, dtype=jnp.int64 if jax.config.jax_enable_x64 else jnp.int32)
    encodings_weight = jax.random.normal(k_tab, (MAX_SEQ_LEN, EMBED_DIM), dtype=jnp.float32)
    return {"input_text": input_text, "encodings_weight": encodings_weight}

def reference(input_text, encodings_weight):
    # nn.Embedding forward: gather rows of the table by index
    return jnp.take(encodings_weight, input_text, axis=0)

if __name__ == "__main__":
    import jax
    _d = setup_inputs()
    print(jax.jit(kernel)(*tuple(_d.values())))

</pallas_src>

<mosaic_0001>
#map = affine_map<(d0, d1) -> (0, 0)>
#map1 = affine_map<(d0, d1) -> (0, 0, 0)>
module attributes {stable_mosaic.version = 14 : i64} {
  func.func @_gather_body(%arg0: i32, %arg1: i32, %arg2: memref<8192x128xf32, #tpu.memory_space<hbm>>, %arg3: memref<32x200x128xi32, #tpu.memory_space<hbm>>, %arg4: memref<32x25600x128xf32, #tpu.memory_space<hbm>>, %arg5: memref<200x128xi32, #tpu.memory_space<vmem>>, %arg6: memref<4x64x128xf32, #tpu.memory_space<vmem>>, %arg7: memref<8192x128xf32, #tpu.memory_space<vmem_shared>>, %arg8: memref<4x!tpu.dma_semaphore, #tpu.memory_space<semaphore_mem>>, %arg9: memref<4x!tpu.dma_semaphore, #tpu.memory_space<semaphore_mem>>) attributes {dimension_semantics = [#tpu.dimension_semantics<core_parallel>, #tpu.dimension_semantics<subcore_parallel>], iteration_bounds = array<i64: 2, 16>, scalar_prefetch = 0 : i64, scratch_operands = 5 : i64, tpu.core_type = #tpu.core_type<sc_vector_subcore>, window_params = [{transform_indices = #map}, {transform_indices = #map1}, {transform_indices = #map1}]} {
    %mul3A = arith.constant 2 : i32
    %mul3A_0 = arith.muli %arg1, %mul3A : i32
    %add3A = arith.addi %mul3A_0, %arg0 : i32
    "tpu.region"() ({
      %run_scoped3A = tpu.sem_alloc : memref<!tpu.dma_semaphore, #tpu.memory_space<semaphore_mem>>
      %dma_start3A_568 = arith.constant 0 : i32
      %dma_start3A_569 = arith.constant 0 : i32
      %dma_start3A_570 = tpu.memref_slice %arg3[%add3A, %dma_start3A_568, %dma_start3A_569] : memref<32x200x128xi32, #tpu.memory_space<hbm>> -> memref<1x200x128xi32, #tpu.memory_space<hbm>>
      %dma_start3A_571 = tpu.memref_squeeze %dma_start3A_570 : memref<1x200x128xi32, #tpu.memory_space<hbm>> -> memref<200x128xi32, #tpu.memory_space<hbm>>
      %dma_start3A_572 = arith.constant 0 : i32
      %dma_start3A_573 = arith.constant 0 : i32
      %dma_start3A_574 = tpu.memref_slice %arg3[%add3A, %dma_start3A_572, %dma_start3A_573] : memref<32x200x128xi32, #tpu.memory_space<hbm>> -> memref<1x200x128xi32, #tpu.memory_space<hbm>>
      %dma_start3A_575 = tpu.memref_squeeze %dma_start3A_574 : memref<1x200x128xi32, #tpu.memory_space<hbm>> -> memref<200x128xi32, #tpu.memory_space<hbm>>
      tpu.enqueue_dma source(%dma_start3A_575 : memref<200x128xi32, #tpu.memory_space<hbm>>) target(%arg5 : memref<200x128xi32, #tpu.memory_space<vmem>>) target_semaphore(%run_scoped3A : memref<!tpu.dma_semaphore, #tpu.memory_space<semaphore_mem>>)
      %dma_wait3A_576 = arith.constant 0 : i32
      %dma_wait3A_577 = arith.constant 0 : i32
      %dma_wait3A_578 = tpu.memref_slice %arg3[%add3A, %dma_wait3A_576, %dma_wait3A_577] : memref<32x200x128xi32, #tpu.memory_space<hbm>> -> memref<1x200x128xi32, #tpu.memory_space<hbm>>
      %dma_wait3A_579 = tpu.memref_squeeze %dma_wait3A_578 : memref<1x200x128xi32, #tpu.memory_space<hbm>> -> memref<200x128xi32, #tpu.memory_space<hbm>>
      %dma_wait3A_580 = arith.constant 0 : i32
      %dma_wait3A_581 = arith.constant 0 : i32
      %dma_wait3A_582 = tpu.memref_slice %arg3[%add3A, %dma_wait3A_580, %dma_wait3A_581] : memref<32x200x128xi32, #tpu.memory_space<hbm>> -> memref<1x200x128xi32, #tpu.memory_space<hbm>>
      %dma_wait3A_583 = tpu.memref_squeeze %dma_wait3A_582 : memref<1x200x128xi32, #tpu.memory_space<hbm>> -> memref<200x128xi32, #tpu.memory_space<hbm>>
      tpu.wait_dma2 semaphore(%run_scoped3A : memref<!tpu.dma_semaphore, #tpu.memory_space<semaphore_mem>>) src(%dma_wait3A_583 : memref<200x128xi32, #tpu.memory_space<hbm>>) dst(%arg5 : memref<200x128xi32, #tpu.memory_space<vmem>>)
      tpu.yield
    }) : () -> ()
    %mul3A_1 = arith.constant 512 : i32
    %mul3A_2 = arith.muli %arg1, %mul3A_1 : i32
    %mul3A_3 = arith.constant 512 : i32
    %mul3A_4 = arith.muli %arg1, %mul3A_3 : i32
    "tpu.region"() ({
      %run_scoped3A = tpu.sem_alloc : memref<!tpu.dma_semaphore, #tpu.memory_space<semaphore_mem>>
      %dma_start3A_568 = arith.constant 0 : i32
      %dma_start3A_569 = tpu.memref_slice %arg7[%mul3A_4, %dma_start3A_568] : memref<8192x128xf32, #tpu.memory_space<vmem_shared>> -> memref<512x128xf32, #tpu.memory_space<vmem_shared>>
      %dma_start3A_570 = arith.constant 0 : i32
      %dma_start3A_571 = tpu.memref_slice %arg2[%mul3A_2, %dma_start3A_570] : memref<8192x128xf32, #tpu.memory_space<hbm>> -> memref<512x128xf32, #tpu.memory_space<hbm>>
      tpu.enqueue_dma source(%dma_start3A_571 : memref<512x128xf32, #tpu.memory_space<hbm>>) target(%dma_start3A_569 : memref<512x128xf32, #tpu.memory_space<vmem_shared>>) target_semaphore(%run_scoped3A : memref<!tpu.dma_semaphore, #tpu.memory_space<semaphore_mem>>)
      %dma_wait3A_572 = arith.constant 0 : i32
      %dma_wait3A_573 = tpu.memref_slice %arg7[%mul3A_4, %dma_wait3A_572] : memref<8192x128xf32, #tpu.memory_space<vmem_shared>> -> memref<512x128xf32, #tpu.memory_space<vmem_shared>>
      %dma_wait3A_574 = arith.constant 0 : i32
      %dma_wait3A_575 = tpu.memref_slice %arg2[%mul3A_2, %dma_wait3A_574] : memref<8192x128xf32, #tpu.memory_space<hbm>> -> memref<512x128xf32, #tpu.memory_space<hbm>>
      tpu.wait_dma2 semaphore(%run_scoped3A : memref<!tpu.dma_semaphore, #tpu.memory_space<semaphore_mem>>) src(%dma_wait3A_575 : memref<512x128xf32, #tpu.memory_space<hbm>>) dst(%dma_wait3A_573 : memref<512x128xf32, #tpu.memory_space<vmem_shared>>)
      tpu.yield
    }) : () -> ()
    %barrier3A = arith.constant 0 : index
    tpu.barrier barrier_id(%barrier3A)
    %dma_start3A = arith.constant 0 : i32
    %dma_start3A_5 = arith.constant 0 : i32
    %dma_start3A_6 = arith.constant 0 : i32
    %dma_start3A_7 = arith.constant 0 : i32
    %dma_start3A_8 = arith.constant 0 : i32
    %dma_start3A_9 = tpu.memref_slice %arg6[%dma_start3A_5, %dma_start3A_7, %dma_start3A_8] : memref<4x64x128xf32, #tpu.memory_space<vmem>> -> memref<1x64x128xf32, #tpu.memory_space<vmem>>
    %dma_start3A_10 = tpu.memref_squeeze %dma_start3A_9 : memref<1x64x128xf32, #tpu.memory_space<vmem>> -> memref<64x128xf32, #tpu.memory_space<vmem>>
    %dma_start3A_11 = arith.constant 0 : i32
    %dma_start3A_12 = tpu.memref_slice %arg5[%dma_start3A, %dma_start3A_11] : memref<200x128xi32, #tpu.memory_space<vmem>> -> memref<1x64xi32, #tpu.memory_space<vmem>>
    %dma_start3A_13 = tpu.memref_squeeze %dma_start3A_12 : memref<1x64xi32, #tpu.memory_space<vmem>> -> memref<64xi32, #tpu.memory_space<vmem>>
    %dma_start3A_14 = arith.constant 0 : i32
    %dma_start3A_15 = arith.constant 0 : i32
    %dma_start3A_16 = tpu.memref_slice %arg7[%dma_start3A_14, %dma_start3A_15] : memref<8192x128xf32, #tpu.memory_space<vmem_shared>> -> memref<8192x128xf32, #tpu.memory_space<vmem_shared>>
    %dma_start3A_17 = tpu.memref_slice %arg8[%dma_start3A_6] : memref<4x!tpu.dma_semaphore, #tpu.memory_space<semaphore_mem>> -> memref<1x!tpu.dma_semaphore, #tpu.memory_space<semaphore_mem>>
    %dma_start3A_18 = tpu.memref_squeeze %dma_start3A_17 : memref<1x!tpu.dma_semaphore, #tpu.memory_space<semaphore_mem>> -> memref<!tpu.dma_semaphore, #tpu.memory_space<semaphore_mem>>
    tpu.enqueue_indirect_dma source(%dma_start3A_16 : memref<8192x128xf32, #tpu.memory_space<vmem_shared>>) target(%dma_start3A_10 : memref<64x128xf32, #tpu.memory_space<vmem>>) offsets(%dma_start3A_13 : memref<64xi32, #tpu.memory_space<vmem>>) semaphore(%dma_start3A_18 : memref<!tpu.dma_semaphore, #tpu.memory_space<semaphore_mem>>)
    %dma_start3A_19 = arith.constant 0 : i32
    %dma_start3A_20 = arith.constant 1 : i32
    %dma_start3A_21 = arith.constant 1 : i32
    %dma_start3A_22 = arith.constant 0 : i32
    %dma_start3A_23 = arith.constant 0 : i32
    %dma_start3A_24 = tpu.memref_slice %arg6[%dma_start3A_20, %dma_start3A_22, %dma_start3A_23] : memref<4x64x128xf32, #tpu.memory_space<vmem>> -> memref<1x64x128xf32, #tpu.memory_space<vmem>>
    %dma_start3A_25 = tpu.memref_squeeze %dma_start3A_24 : memref<1x64x128xf32, #tpu.memory_space<vmem>> -> memref<64x128xf32, #tpu.memory_space<vmem>>
    %dma_start3A_26 = arith.constant 64 : i32
    %dma_start3A_27 = tpu.memref_slice %arg5[%dma_start3A_19, %dma_start3A_26] : memref<200x128xi32, #tpu.memory_space<vmem>> -> memref<1x64xi32, #tpu.memory_space<vmem>>
    %dma_start3A_28 = tpu.memref_squeeze %dma_start3A_27 : memref<1x64xi32, #tpu.memory_space<vmem>> -> memref<64xi32, #tpu.memory_space<vmem>>
    %dma_start3A_29 = arith.constant 0 : i32
    %dma_start3A_30 = arith.constant 0 : i32
    %dma_start3A_31 = tpu.memref_slice %arg7[%dma_start3A_29, %dma_start3A_30] : memref<8192x128xf32, #tpu.memory_space<vmem_shared>> -> memref<8192x128xf32, #tpu.memory_space<vmem_shared>>
    %dma_start3A_32 = tpu.memref_slice %arg8[%dma_start3A_21] : memref<4x!tpu.dma_semaphore, #tpu.memory_space<semaphore_mem>> -> memref<1x!tpu.dma_semaphore, #tpu.memory_space<semaphore_mem>>
    %dma_start3A_33 = tpu.memref_squeeze %dma_start3A_32 : memref<1x!tpu.dma_semaphore, #tpu.memory_space<semaphore_mem>> -> memref<!tpu.dma_semaphore, #tpu.memory_space<semaphore_mem>>
    tpu.enqueue_indirect_dma source(%dma_start3A_31 : memref<8192x128xf32, #tpu.memory_space<vmem_shared>>) target(%dma_start3A_25 : memref<64x128xf32, #tpu.memory_space<vmem>>) offsets(%dma_start3A_28 : memref<64xi32, #tpu.memory_space<vmem>>) semaphore(%dma_start3A_33 : memref<!tpu.dma_semaphore, #tpu.memory_space<semaphore_mem>>)
    %dma_start3A_34 = arith.constant 1 : i32
    %dma_start3A_35 = arith.constant 2 : i32
    %dma_start3A_36 = arith.constant 2 : i32
    %dma_start3A_37 = arith.constant 0 : i32
    %dma_start3A_38 = arith.constant 0 : i32
    %dma_start3A_39 = tpu.memref_slice %arg6[%dma_start3A_35, %dma_start3A_37, %dma_start3A_38] : memref<4x64x128xf32, #tpu.memory_space<vmem>> -> memref<1x64x128xf32, #tpu.memory_space<vmem>>
    %dma_start3A_40 = tpu.memref_squeeze %dma_start3A_39 : memref<1x64x128xf32, #tpu.memory_space<vmem>> -> memref<64x128xf32, #tpu.memory_space<vmem>>
    %dma_start3A_41 = arith.constant 0 : i32
    %dma_start3A_42 = tpu.memref_slice %arg5[%dma_start3A_34, %dma_start3A_41] : memref<200x128xi32, #tpu.memory_space<vmem>> -> memref<1x64xi32, #tpu.memory_space<vmem>>
    %dma_start3A_43 = tpu.memref_squeeze %dma_start3A_42 : memref<1x64xi32, #tpu.memory_space<vmem>> -> memref<64xi32, #tpu.memory_space<vmem>>
    %dma_start3A_44 = arith.constant 0 : i32
    %dma_start3A_45 = arith.constant 0 : i32
    %dma_start3A_46 = tpu.memref_slice %arg7[%dma_start3A_44, %dma_start3A_45] : memref<8192x128xf32, #tpu.memory_space<vmem_shared>> -> memref<8192x128xf32, #tpu.memory_space<vmem_shared>>
    %dma_start3A_47 = tpu.memref_slice %arg8[%dma_start3A_36] : memref<4x!tpu.dma_semaphore, #tpu.memory_space<semaphore_mem>> -> memref<1x!tpu.dma_semaphore, #tpu.memory_space<semaphore_mem>>
    %dma_start3A_48 = tpu.memref_squeeze %dma_start3A_47 : memref<1x!tpu.dma_semaphore, #tpu.memory_space<semaphore_mem>> -> memref<!tpu.dma_semaphore, #tpu.memory_space<semaphore_mem>>
    tpu.enqueue_indirect_dma source(%dma_start3A_46 : memref<8192x128xf32, #tpu.memory_space<vmem_shared>>) target(%dma_start3A_40 : memref<64x128xf32, #tpu.memory_space<vmem>>) offsets(%dma_start3A_43 : memref<64xi32, #tpu.memory_space<vmem>>) semaphore(%dma_start3A_48 : memref<!tpu.dma_semaphore, #tpu.memory_space<semaphore_mem>>)
    %dma_start3A_49 = arith.constant 1 : i32
    %dma_start3A_50 = arith.constant 3 : i32
    %dma_start3A_51 = arith.constant 3 : i32
    %dma_start3A_52 = arith.constant 0 : i32
    %dma_start3A_53 = arith.constant 0 : i32
    %dma_start3A_54 = tpu.memref_slice %arg6[%dma_start3A_50, %dma_start3A_52, %dma_start3A_53] : memref<4x64x128xf32, #tpu.memory_space<vmem>> -> memref<1x64x128xf32, #tpu.memory_space<vmem>>
    %dma_start3A_55 = tpu.memref_squeeze %dma_start3A_54 : memref<1x64x128xf32, #tpu.memory_space<vmem>> -> memref<64x128xf32, #tpu.memory_space<vmem>>
    %dma_start3A_56 = arith.constant 64 : i32
    %dma_start3A_57 = tpu.memref_slice %arg5[%dma_start3A_49, %dma_start3A_56] : memref<200x128xi32, #tpu.memory_space<vmem>> -> memref<1x64xi32, #tpu.memory_space<vmem>>
    %dma_start3A_58 = tpu.memref_squeeze %dma_start3A_57 : memref<1x64xi32, #tpu.memory_space<vmem>> -> memref<64xi32, #tpu.memory_space<vmem>>
    %dma_start3A_59 = arith.constant 0 : i32
    %dma_start3A_60 = arith.constant 0 : i32
    %dma_start3A_61 = tpu.memref_slice %arg7[%dma_start3A_59, %dma_start3A_60] : memref<8192x128xf32, #tpu.memory_space<vmem_shared>> -> memref<8192x128xf32, #tpu.memory_space<vmem_shared>>
    %dma_start3A_62 = tpu.memref_slice %arg8[%dma_start3A_51] : memref<4x!tpu.dma_semaphore, #tpu.memory_space<semaphore_mem>> -> memref<1x!tpu.dma_semaphore, #tpu.memory_space<semaphore_mem>>
    %dma_start3A_63 = tpu.memref_squeeze %dma_start3A_62 : memref<1x!tpu.dma_semaphore, #tpu.memory_space<semaphore_mem>> -> memref<!tpu.dma_semaphore, #tpu.memory_space<semaphore_mem>>
    tpu.enqueue_indirect_dma source(%dma_start3A_61 : memref<8192x128xf32, #tpu.memory_space<vmem_shared>>) target(%dma_start3A_55 : memref<64x128xf32, #tpu.memory_space<vmem>>) offsets(%dma_start3A_58 : memref<64xi32, #tpu.memory_space<vmem>>) semaphore(%dma_start3A_63 : memref<!tpu.dma_semaphore, #tpu.memory_space<semaphore_mem>>)
    %dma_wait3A = arith.constant 0 : i32
    %dma_wait3A_64 = arith.constant 0 : i32
    %dma_wait3A_65 = arith.constant 0 : i32
    %dma_wait3A_66 = arith.constant 0 : i32
    %dma_wait3A_67 = arith.constant 0 : i32
    %dma_wait3A_68 = tpu.memref_slice %arg6[%dma_wait3A_64, %dma_wait3A_66, %dma_wait3A_67] : memref<4x64x128xf32, #tpu.memory_space<vmem>> -> memref<1x64x128xf32, #tpu.memory_space<vmem>>
    %dma_wait3A_69 = tpu.memref_squeeze %dma_wait3A_68 : memref<1x64x128xf32, #tpu.memory_space<vmem>> -> memref<64x128xf32, #tpu.memory_space<vmem>>
    %dma_wait3A_70 = arith.constant 0 : i32
    %dma_wait3A_71 = tpu.memref_slice %arg5[%dma_wait3A, %dma_wait3A_70] : memref<200x128xi32, #tpu.memory_space<vmem>> -> memref<1x64xi32, #tpu.memory_space<vmem>>
    %dma_wait3A_72 = tpu.memref_squeeze %dma_wait3A_71 : memref<1x64xi32, #tpu.memory_space<vmem>> -> memref<64xi32, #tpu.memory_space<vmem>>
    %dma_wait3A_73 = arith.constant 0 : i32
    %dma_wait3A_74 = arith.constant 0 : i32
    %dma_wait3A_75 = tpu.memref_slice %arg7[%dma_wait3A_73, %dma_wait3A_74] : memref<8192x128xf32, #tpu.memory_space<vmem_shared>> -> memref<8192x128xf32, #tpu.memory_space<vmem_shared>>
    %dma_wait3A_76 = tpu.memref_slice %arg8[%dma_wait3A_65] : memref<4x!tpu.dma_semaphore, #tpu.memory_space<semaphore_mem>> -> memref<1x!tpu.dma_semaphore, #tpu.memory_space<semaphore_mem>>
    %dma_wait3A_77 = tpu.memref_squeeze %dma_wait3A_76 : memref<1x!tpu.dma_semaphore, #tpu.memory_space<semaphore_mem>> -> memref<!tpu.dma_semaphore, #tpu.memory_space<semaphore_mem>>
    tpu.wait_indirect_dma semaphore(%dma_wait3A_77 : memref<!tpu.dma_semaphore, #tpu.memory_space<semaphore_mem>>) src(%dma_wait3A_75 : memref<8192x128xf32, #tpu.memory_space<vmem_shared>>) dst(%dma_wait3A_69 : memref<64x128xf32, #tpu.memory_space<vmem>>)
    %dma_start3A_78 = arith.constant 0 : i32
    %dma_start3A_79 = arith.constant 0 : i32
    %dma_start3A_80 = arith.constant 0 : i32
    %dma_start3A_81 = arith.constant 0 : i32
    %dma_start3A_82 = tpu.memref_slice %arg6[%dma_start3A_78, %dma_start3A_80, %dma_start3A_81] : memref<4x64x128xf32, #tpu.memory_space<vmem>> -> memref<1x64x128xf32, #tpu.memory_space<vmem>>
    %dma_start3A_83 = tpu.memref_squeeze %dma_start3A_82 : memref<1x64x128xf32, #tpu.memory_space<vmem>> -> memref<64x128xf32, #tpu.memory_space<vmem>>
    %dma_start3A_84 = arith.constant 0 : i32
    %dma_start3A_85 = arith.constant 0 : i32
    %dma_start3A_86 = tpu.memref_slice %arg4[%add3A, %dma_start3A_84, %dma_start3A_85] : memref<32x25600x128xf32, #tpu.memory_space<hbm>> -> memref<1x64x128xf32, #tpu.memory_space<hbm>>
    %dma_start3A_87 = tpu.memref_squeeze %dma_start3A_86 : memref<1x64x128xf32, #tpu.memory_space<hbm>> -> memref<64x128xf32, #tpu.memory_space<hbm>>
    %dma_start3A_88 = tpu.memref_slice %arg9[%dma_start3A_79] : memref<4x!tpu.dma_semaphore, #tpu.memory_space<semaphore_mem>> -> memref<1x!tpu.dma_semaphore, #tpu.memory_space<semaphore_mem>>
    %dma_start3A_89 = tpu.memref_squeeze %dma_start3A_88 : memref<1x!tpu.dma_semaphore, #tpu.memory_space<semaphore_mem>> -> memref<!tpu.dma_semaphore, #tpu.memory_space<semaphore_mem>>
    %dma_start3A_90 = arith.constant 0 : i32
    %dma_start3A_91 = arith.constant 0 : i32
    %dma_start3A_92 = tpu.memref_slice %arg4[%add3A, %dma_start3A_90, %dma_start3A_91] : memref<32x25600x128xf32, #tpu.memory_space<hbm>> -> memref<1x64x128xf32, #tpu.memory_space<hbm>>
    %dma_start3A_93 = tpu.memref_squeeze %dma_start3A_92 : memref<1x64x128xf32, #tpu.memory_space<hbm>> -> memref<64x128xf32, #tpu.memory_space<hbm>>
    %dma_start3A_94 = arith.constant 0 : i32
    %dma_start3A_95 = arith.constant 0 : i32
    %dma_start3A_96 = tpu.memref_slice %arg6[%dma_start3A_78, %dma_start3A_94, %dma_start3A_95] : memref<4x64x128xf32, #tpu.memory_space<vmem>> -> memref<1x64x128xf32, #tpu.memory_space<vmem>>
    %dma_start3A_97 = tpu.memref_squeeze %dma_start3A_96 : memref<1x64x128xf32, #tpu.memory_space<vmem>> -> memref<64x128xf32, #tpu.memory_space<vmem>>
    tpu.enqueue_dma source(%dma_start3A_97 : memref<64x128xf32, #tpu.memory_space<vmem>>) target(%dma_start3A_93 : memref<64x128xf32, #tpu.memory_space<hbm>>) target_semaphore(%dma_start3A_89 : memref<!tpu.dma_semaphore, #tpu.memory_space<semaphore_mem>>)
    %dma_wait3A_98 = arith.constant 0 : i32
    %dma_wait3A_99 = arith.constant 0 : i32
    %dma_wait3A_100 = arith.constant 0 : i32
    %dma_wait3A_101 = arith.constant 0 : i32
    %dma_wait3A_102 = tpu.memref_slice %arg6[%dma_wait3A_98, %dma_wait3A_100, %dma_wait3A_101] : memref<4x64x128xf32, #tpu.memory_space<vmem>> -> memref<1x64x128xf32, #tpu.memory_space<vmem>>
    %dma_wait3A_103 = tpu.memref_squeeze %dma_wait3A_102 : memref<1x64x128xf32, #tpu.memory_space<vmem>> -> memref<64x128xf32, #tpu.memory_space<vmem>>
    %dma_wait3A_104 = arith.constant 0 : i32
    %dma_wait3A_105 = arith.constant 0 : i32
    %dma_wait3A_106 = tpu.memref_slice %arg4[%add3A, %dma_wait3A_104, %dma_wait3A_105] : memref<32x25600x128xf32, #tpu.memory_space<hbm>> -> memref<1x64x128xf32, #tpu.memory_space<hbm>>
    %dma_wait3A_107 = tpu.memref_squeeze %dma_wait3A_106 : memref<1x64x128xf32, #tpu.memory_space<hbm>> -> memref<64x128xf32, #tpu.memory_space<hbm>>
    %dma_wait3A_108 = tpu.memref_slice %arg9[%dma_wait3A_99] : memref<4x!tpu.dma_semaphore, #tpu.memory_space<semaphore_mem>> -> memref<1x!tpu.dma_semaphore, #tpu.memory_space<semaphore_mem>>
    %dma_wait3A_109 = tpu.memref_squeeze %dma_wait3A_108 : memref<1x!tpu.dma_semaphore, #tpu.memory_space<semaphore_mem>> -> memref<!tpu.dma_semaphore, #tpu.memory_space<semaphore_mem>>
    %dma_wait3A_110 = arith.constant 0 : i32
    %dma_wait3A_111 = arith.constant 0 : i32
    %dma_wait3A_112 = tpu.memref_slice %arg4[%add3A, %dma_wait3A_110, %dma_wait3A_111] : memref<32x25600x128xf32, #tpu.memory_space<hbm>> -> memref<1x64x128xf32, #tpu.memory_space<hbm>>
    %dma_wait3A_113 = tpu.memref_squeeze %dma_wait3A_112 : memref<1x64x128xf32, #tpu.memory_space<hbm>> -> memref<64x128xf32, #tpu.memory_space<hbm>>
    %dma_wait3A_114 = arith.constant 0 : i32
    %dma_wait3A_115 = arith.constant 0 : i32
    %dma_wait3A_116 = tpu.memref_slice %arg6[%dma_wait3A_98, %dma_wait3A_114, %dma_wait3A_115] : memref<4x64x128xf32, #tpu.memory_space<vmem>> -> memref<1x64x128xf32, #tpu.memory_space<vmem>>
    %dma_wait3A_117 = tpu.memref_squeeze %dma_wait3A_116 : memref<1x64x128xf32, #tpu.memory_space<vmem>> -> memref<64x128xf32, #tpu.memory_space<vmem>>
    tpu.wait_dma2 semaphore(%dma_wait3A_109 : memref<!tpu.dma_semaphore, #tpu.memory_space<semaphore_mem>>) src(%dma_wait3A_117 : memref<64x128xf32, #tpu.memory_space<vmem>>) dst(%dma_wait3A_113 : memref<64x128xf32, #tpu.memory_space<hbm>>)
    %dma_start3A_118 = arith.constant 2 : i32
    %dma_start3A_119 = arith.constant 0 : i32
    %dma_start3A_120 = arith.constant 0 : i32
    %dma_start3A_121 = arith.constant 0 : i32
    %dma_start3A_122 = arith.constant 0 : i32
    %dma_start3A_123 = tpu.memref_slice %arg6[%dma_start3A_119, %dma_start3A_121, %dma_start3A_122] : memref<4x64x128xf32, #tpu.memory_space<vmem>> -> memref<1x64x128xf32, #tpu.memory_space<vmem>>
    %dma_start3A_124 = tpu.memref_squeeze %dma_start3A_123 : memref<1x64x128xf32, #tpu.memory_space<vmem>> -> memref<64x128xf32, #tpu.memory_space<vmem>>
    %dma_start3A_125 = arith.constant 0 : i32
    %dma_start3A_126 = tpu.memref_slice %arg5[%dma_start3A_118, %dma_start3A_125] : memref<200x128xi32, #tpu.memory_space<vmem>> -> memref<1x64xi32, #tpu.memory_space<vmem>>
    %dma_start3A_127 = tpu.memref_squeeze %dma_start3A_126 : memref<1x64xi32, #tpu.memory_space<vmem>> -> memref<64xi32, #tpu.memory_space<vmem>>
    %dma_start3A_128 = arith.constant 0 : i32
    %dma_start3A_129 = arith.constant 0 : i32
    %dma_start3A_130 = tpu.memref_slice %arg7[%dma_start3A_128, %dma_start3A_129] : memref<8192x128xf32, #tpu.memory_space<vmem_shared>> -> memref<8192x128xf32, #tpu.memory_space<vmem_shared>>
    %dma_start3A_131 = tpu.memref_slice %arg8[%dma_start3A_120] : memref<4x!tpu.dma_semaphore, #tpu.memory_space<semaphore_mem>> -> memref<1x!tpu.dma_semaphore, #tpu.memory_space<semaphore_mem>>
    %dma_start3A_132 = tpu.memref_squeeze %dma_start3A_131 : memref<1x!tpu.dma_semaphore, #tpu.memory_space<semaphore_mem>> -> memref<!tpu.dma_semaphore, #tpu.memory_space<semaphore_mem>>
    tpu.enqueue_indirect_dma source(%dma_start3A_130 : memref<8192x128xf32, #tpu.memory_space<vmem_shared>>) target(%dma_start3A_124 : memref<64x128xf32, #tpu.memory_space<vmem>>) offsets(%dma_start3A_127 : memref<64xi32, #tpu.memory_space<vmem>>) semaphore(%dma_start3A_132 : memref<!tpu.dma_semaphore, #tpu.memory_space<semaphore_mem>>)
    %dma_wait3A_133 = arith.constant 0 : i32
    %dma_wait3A_134 = arith.constant 1 : i32
    %dma_wait3A_135 = arith.constant 1 : i32
    %dma_wait3A_136 = arith.constant 0 : i32
    %dma_wait3A_137 = arith.constant 0 : i32
    %dma_wait3A_138 = tpu.memref_slice %arg6[%dma_wait3A_134, %dma_wait3A_136, %dma_wait3A_137] : memref<4x64x128xf32, #tpu.memory_space<vmem>> -> memref<1x64x128xf32, #tpu.memory_space<vmem>>
    %dma_wait3A_139 = tpu.memref_squeeze %dma_wait3A_138 : memref<1x64x128xf32, #tpu.memory_space<vmem>> -> memref<64x128xf32, #tpu.memory_space<vmem>>
    %dma_wait3A_140 = arith.constant 64 : i32
    %dma_wait3A_141 = tpu.memref_slice %arg5[%dma_wait3A_133, %dma_wait3A_140] : memref<200x128xi32, #tpu.memory_space<vmem>> -> memref<1x64xi32, #tpu.memory_space<vmem>>
    %dma_wait3A_142 = tpu.memref_squeeze %dma_wait3A_141 : memref<1x64xi32, #tpu.memory_space<vmem>> -> memref<64xi32, #tpu.memory_space<vmem>>
    %dma_wait3A_143 = arith.constant 0 : i32
    %dma_wait3A_144 = arith.constant 0 : i32
    %dma_wait3A_145 = tpu.memref_slice %arg7[%dma_wait3A_143, %dma_wait3A_144] : memref<8192x128xf32, #tpu.memory_space<vmem_shared>> -> memref<8192x128xf32, #tpu.memory_space<vmem_shared>>
    %dma_wait3A_146 = tpu.memref_slice %arg8[%dma_wait3A_135] : memref<4x!tpu.dma_semaphore, #tpu.memory_space<semaphore_mem>> -> memref<1x!tpu.dma_semaphore, #tpu.memory_space<semaphore_mem>>
    %dma_wait3A_147 = tpu.memref_squeeze %dma_wait3A_146 : memref<1x!tpu.dma_semaphore, #tpu.memory_space<semaphore_mem>> -> memref<!tpu.dma_semaphore, #tpu.memory_space<semaphore_mem>>
    tpu.wait_indirect_dma semaphore(%dma_wait3A_147 : memref<!tpu.dma_semaphore, #tpu.memory_space<semaphore_mem>>) src(%dma_wait3A_145 : memref<8192x128xf32, #tpu.memory_space<vmem_shared>>) dst(%dma_wait3A_139 : memref<64x128xf32, #tpu.memory_space<vmem>>)
    %dma_start3A_148 = arith.constant 1 : i32
    %dma_start3A_149 = arith.constant 1 : i32
    %dma_start3A_150 = arith.constant 0 : i32
    %dma_start3A_151 = arith.constant 0 : i32
    %dma_start3A_152 = tpu.memref_slice %arg6[%dma_start3A_148, %dma_start3A_150, %dma_start3A_151] : memref<4x64x128xf32, #tpu.memory_space<vmem>> -> memref<1x64x128xf32, #tpu.memory_space<vmem>>
    %dma_start3A_153 = tpu.memref_squeeze %dma_start3A_152 : memref<1x64x128xf32, #tpu.memory_space<vmem>> -> memref<64x128xf32, #tpu.memory_space<vmem>>
    %dma_start3A_154 = arith.constant 64 : i32
    %dma_start3A_155 = arith.constant 0 : i32
    %dma_start3A_156 = tpu.memref_slice %arg4[%add3A, %dma_start3A_154, %dma_start3A_155] : memref<32x25600x128xf32, #tpu.memory_space<hbm>> -> memref<1x64x128xf32, #tpu.memory_space<hbm>>
    %dma_start3A_157 = tpu.memref_squeeze %dma_start3A_156 : memref<1x64x128xf32, #tpu.memory_space<hbm>> -> memref<64x128xf32, #tpu.memory_space<hbm>>
    %dma_start3A_158 = tpu.memref_slice %arg9[%dma_start3A_149] : memref<4x!tpu.dma_semaphore, #tpu.memory_space<semaphore_mem>> -> memref<1x!tpu.dma_semaphore, #tpu.memory_space<semaphore_mem>>
    %dma_start3A_159 = tpu.memref_squeeze %dma_start3A_158 : memref<1x!tpu.dma_semaphore, #tpu.memory_space<semaphore_mem>> -> memref<!tpu.dma_semaphore, #tpu.memory_space<semaphore_mem>>
    %dma_start3A_160 = arith.constant 64 : i32
    %dma_start3A_161 = arith.constant 0 : i32
    %dma_start3A_162 = tpu.memref_slice %arg4[%add3A, %dma_start3A_160, %dma_start3A_161] : memref<32x25600x128xf32, #tpu.memory_space<hbm>> -> memref<1x64x128xf32, #tpu.memory_space<hbm>>
    %dma_start3A_163 = tpu.memref_squeeze %dma_start3A_162 : memref<1x64x128xf32, #tpu.memory_space<hbm>> -> memref<64x128xf32, #tpu.memory_space<hbm>>
    %dma_start3A_164 = arith.constant 0 : i32
    %dma_start3A_165 = arith.constant 0 : i32
    %dma_start3A_166 = tpu.memref_slice %arg6[%dma_start3A_148, %dma_start3A_164, %dma_start3A_165] : memref<4x64x128xf32, #tpu.memory_space<vmem>> -> memref<1x64x128xf32, #tpu.memory_space<vmem>>
    %dma_start3A_167 = tpu.memref_squeeze %dma_start3A_166 : memref<1x64x128xf32, #tpu.memory_space<vmem>> -> memref<64x128xf32, #tpu.memory_space<vmem>>
    tpu.enqueue_dma source(%dma_start3A_167 : memref<64x128xf32, #tpu.memory_space<vmem>>) target(%dma_start3A_163 : memref<64x128xf32, #tpu.memory_space<hbm>>) target_semaphore(%dma_start3A_159 : memref<!tpu.dma_semaphore, #tpu.memory_space<semaphore_mem>>)
    %dma_wait3A_168 = arith.constant 1 : i32
    %dma_wait3A_169 = arith.constant 1 : i32
    %dma_wait3A_170 = arith.constant 0 : i32
    %dma_wait3A_171 = arith.constant 0 : i32
    %dma_wait3A_172 = tpu.memref_slice %arg6[%dma_wait3A_168, %dma_wait3A_170, %dma_wait3A_171] : memref<4x64x128xf32, #tpu.memory_space<vmem>> -> memref<1x64x128xf32, #tpu.memory_space<vmem>>
    %dma_wait3A_173 = tpu.memref_squeeze %dma_wait3A_172 : memref<1x64x128xf32, #tpu.memory_space<vmem>> -> memref<64x128xf32, #tpu.memory_space<vmem>>
    %dma_wait3A_174 = arith.constant 0 : i32
    %dma_wait3A_175 = arith.constant 0 : i32
    %dma_wait3A_176 = tpu.memref_slice %arg4[%add3A, %dma_wait3A_174, %dma_wait3A_175] : memref<32x25600x128xf32, #tpu.memory_space<hbm>> -> memref<1x64x128xf32, #tpu.memory_space<hbm>>
    %dma_wait3A_177 = tpu.memref_squeeze %dma_wait3A_176 : memref<1x64x128xf32, #tpu.memory_space<hbm>> -> memref<64x128xf32, #tpu.memory_space<hbm>>
    %dma_wait3A_178 = tpu.memref_slice %arg9[%dma_wait3A_169] : memref<4x!tpu.dma_semaphore, #tpu.memory_space<semaphore_mem>> -> memref<1x!tpu.dma_semaphore, #tpu.memory_space<semaphore_mem>>
    %dma_wait3A_179 = tpu.memref_squeeze %dma_wait3A_178 : memref<1x!tpu.dma_semaphore, #tpu.memory_space<semaphore_mem>> -> memref<!tpu.dma_semaphore, #tpu.memory_space<semaphore_mem>>
    %dma_wait3A_180 = arith.constant 0 : i32
    %dma_wait3A_181 = arith.constant 0 : i32
    %dma_wait3A_182 = tpu.memref_slice %arg4[%add3A, %dma_wait3A_180, %dma_wait3A_181] : memref<32x25600x128xf32, #tpu.memory_space<hbm>> -> memref<1x64x128xf32, #tpu.memory_space<hbm>>
    %dma_wait3A_183 = tpu.memref_squeeze %dma_wait3A_182 : memref<1x64x128xf32, #tpu.memory_space<hbm>> -> memref<64x128xf32, #tpu.memory_space<hbm>>
    %dma_wait3A_184 = arith.constant 0 : i32
    %dma_wait3A_185 = arith.constant 0 : i32
    %dma_wait3A_186 = tpu.memref_slice %arg6[%dma_wait3A_168, %dma_wait3A_184, %dma_wait3A_185] : memref<4x64x128xf32, #tpu.memory_space<vmem>> -> memref<1x64x128xf32, #tpu.memory_space<vmem>>
    %dma_wait3A_187 = tpu.memref_squeeze %dma_wait3A_186 : memref<1x64x128xf32, #tpu.memory_space<vmem>> -> memref<64x128xf32, #tpu.memory_space<vmem>>
    tpu.wait_dma2 semaphore(%dma_wait3A_179 : memref<!tpu.dma_semaphore, #tpu.memory_space<semaphore_mem>>) src(%dma_wait3A_187 : memref<64x128xf32, #tpu.memory_space<vmem>>) dst(%dma_wait3A_183 : memref<64x128xf32, #tpu.memory_space<hbm>>)
    %dma_start3A_188 = arith.constant 2 : i32
    %dma_start3A_189 = arith.constant 1 : i32
    %dma_start3A_190 = arith.constant 1 : i32
    %dma_start3A_191 = arith.constant 0 : i32
    %dma_start3A_192 = arith.constant 0 : i32
    %dma_start3A_193 = tpu.memref_slice %arg6[%dma_start3A_189, %dma_start3A_191, %dma_start3A_192] : memref<4x64x128xf32, #tpu.memory_space<vmem>> -> memref<1x64x128xf32, #tpu.memory_space<vmem>>
    %dma_start3A_194 = tpu.memref_squeeze %dma_start3A_193 : memref<1x64x128xf32, #tpu.memory_space<vmem>> -> memref<64x128xf32, #tpu.memory_space<vmem>>
    %dma_start3A_195 = arith.constant 64 : i32
    %dma_start3A_196 = tpu.memref_slice %arg5[%dma_start3A_188, %dma_start3A_195] : memref<200x128xi32, #tpu.memory_space<vmem>> -> memref<1x64xi32, #tpu.memory_space<vmem>>
    %dma_start3A_197 = tpu.memref_squeeze %dma_start3A_196 : memref<1x64xi32, #tpu.memory_space<vmem>> -> memref<64xi32, #tpu.memory_space<vmem>>
    %dma_start3A_198 = arith.constant 0 : i32
    %dma_start3A_199 = arith.constant 0 : i32
    %dma_start3A_200 = tpu.memref_slice %arg7[%dma_start3A_198, %dma_start3A_199] : memref<8192x128xf32, #tpu.memory_space<vmem_shared>> -> memref<8192x128xf32, #tpu.memory_space<vmem_shared>>
    %dma_start3A_201 = tpu.memref_slice %arg8[%dma_start3A_190] : memref<4x!tpu.dma_semaphore, #tpu.memory_space<semaphore_mem>> -> memref<1x!tpu.dma_semaphore, #tpu.memory_space<semaphore_mem>>
    %dma_start3A_202 = tpu.memref_squeeze %dma_start3A_201 : memref<1x!tpu.dma_semaphore, #tpu.memory_space<semaphore_mem>> -> memref<!tpu.dma_semaphore, #tpu.memory_space<semaphore_mem>>
    tpu.enqueue_indirect_dma source(%dma_start3A_200 : memref<8192x128xf32, #tpu.memory_space<vmem_shared>>) target(%dma_start3A_194 : memref<64x128xf32, #tpu.memory_space<vmem>>) offsets(%dma_start3A_197 : memref<64xi32, #tpu.memory_space<vmem>>) semaphore(%dma_start3A_202 : memref<!tpu.dma_semaphore, #tpu.memory_space<semaphore_mem>>)
    %dma_wait3A_203 = arith.constant 1 : i32
    %dma_wait3A_204 = arith.constant 2 : i32
    %dma_wait3A_205 = arith.constant 2 : i32
    %dma_wait3A_206 = arith.constant 0 : i32
    %dma_wait3A_207 = arith.constant 0 : i32
    %dma_wait3A_208 = tpu.memref_slice %arg6[%dma_wait3A_204, %dma_wait3A_206, %dma_wait3A_207] : memref<4x64x128xf32, #tpu.memory_space<vmem>> -> memref<1x64x128xf32, #tpu.memory_space<vmem>>
    %dma_wait3A_209 = tpu.memref_squeeze %dma_wait3A_208 : memref<1x64x128xf32, #tpu.memory_space<vmem>> -> memref<64x128xf32, #tpu.memory_space<vmem>>
    %dma_wait3A_210 = arith.constant 0 : i32
    %dma_wait3A_211 = tpu.memref_slice %arg5[%dma_wait3A_203, %dma_wait3A_210] : memref<200x128xi32, #tpu.memory_space<vmem>> -> memref<1x64xi32, #tpu.memory_space<vmem>>
    %dma_wait3A_212 = tpu.memref_squeeze %dma_wait3A_211 : memref<1x64xi32, #tpu.memory_space<vmem>> -> memref<64xi32, #tpu.memory_space<vmem>>
    %dma_wait3A_213 = arith.constant 0 : i32
    %dma_wait3A_214 = arith.constant 0 : i32
    %dma_wait3A_215 = tpu.memref_slice %arg7[%dma_wait3A_213, %dma_wait3A_214] : memref<8192x128xf32, #tpu.memory_space<vmem_shared>> -> memref<8192x128xf32, #tpu.memory_space<vmem_shared>>
    %dma_wait3A_216 = tpu.memref_slice %arg8[%dma_wait3A_205] : memref<4x!tpu.dma_semaphore, #tpu.memory_space<semaphore_mem>> -> memref<1x!tpu.dma_semaphore, #tpu.memory_space<semaphore_mem>>
    %dma_wait3A_217 = tpu.memref_squeeze %dma_wait3A_216 : memref<1x!tpu.dma_semaphore, #tpu.memory_space<semaphore_mem>> -> memref<!tpu.dma_semaphore, #tpu.memory_space<semaphore_mem>>
    tpu.wait_indirect_dma semaphore(%dma_wait3A_217 : memref<!tpu.dma_semaphore, #tpu.memory_space<semaphore_mem>>) src(%dma_wait3A_215 : memref<8192x128xf32, #tpu.memory_space<vmem_shared>>) dst(%dma_wait3A_209 : memref<64x128xf32, #tpu.memory_space<vmem>>)
    %dma_start3A_218 = arith.constant 2 : i32
    %dma_start3A_219 = arith.constant 2 : i32
    %dma_start3A_220 = arith.constant 0 : i32
    %dma_start3A_221 = arith.constant 0 : i32
    %dma_start3A_222 = tpu.memref_slice %arg6[%dma_start3A_218, %dma_start3A_220, %dma_start3A_221] : memref<4x64x128xf32, #tpu.memory_space<vmem>> -> memref<1x64x128xf32, #tpu.memory_space<vmem>>
    %dma_start3A_223 = tpu.memref_squeeze %dma_start3A_222 : memref<1x64x128xf32, #tpu.memory_space<vmem>> -> memref<64x128xf32, #tpu.memory_space<vmem>>
    %dma_start3A_224 = arith.constant 128 : i32
    %dma_start3A_225 = arith.constant 0 : i32
    %dma_start3A_226 = tpu.memref_slice %arg4[%add3A, %dma_start3A_224, %dma_start3A_225] : memref<32x25600x128xf32, #tpu.memory_space<hbm>> -> memref<1x64x128xf32, #tpu.memory_space<hbm>>
    %dma_start3A_227 = tpu.memref_squeeze %dma_start3A_226 : memref<1x64x128xf32, #tpu.memory_space<hbm>> -> memref<64x128xf32, #tpu.memory_space<hbm>>
    %dma_start3A_228 = tpu.memref_slice %arg9[%dma_start3A_219] : memref<4x!tpu.dma_semaphore, #tpu.memory_space<semaphore_mem>> -> memref<1x!tpu.dma_semaphore, #tpu.memory_space<semaphore_mem>>
    %dma_start3A_229 = tpu.memref_squeeze %dma_start3A_228 : memref<1x!tpu.dma_semaphore, #tpu.memory_space<semaphore_mem>> -> memref<!tpu.dma_semaphore, #tpu.memory_space<semaphore_mem>>
    %dma_start3A_230 = arith.constant 128 : i32
    %dma_start3A_231 = arith.constant 0 : i32
    %dma_start3A_232 = tpu.memref_slice %arg4[%add3A, %dma_start3A_230, %dma_start3A_231] : memref<32x25600x128xf32, #tpu.memory_space<hbm>> -> memref<1x64x128xf32, #tpu.memory_space<hbm>>
    %dma_start3A_233 = tpu.memref_squeeze %dma_start3A_232 : memref<1x64x128xf32, #tpu.memory_space<hbm>> -> memref<64x128xf32, #tpu.memory_space<hbm>>
    %dma_start3A_234 = arith.constant 0 : i32
    %dma_start3A_235 = arith.constant 0 : i32
    %dma_start3A_236 = tpu.memref_slice %arg6[%dma_start3A_218, %dma_start3A_234, %dma_start3A_235] : memref<4x64x128xf32, #tpu.memory_space<vmem>> -> memref<1x64x128xf32, #tpu.memory_space<vmem>>
    %dma_start3A_237 = tpu.memref_squeeze %dma_start3A_236 : memref<1x64x128xf32, #tpu.memory_space<vmem>> -> memref<64x128xf32, #tpu.memory_space<vmem>>
    tpu.enqueue_dma source(%dma_start3A_237 : memref<64x128xf32, #tpu.memory_space<vmem>>) target(%dma_start3A_233 : memref<64x128xf32, #tpu.memory_space<hbm>>) target_semaphore(%dma_start3A_229 : memref<!tpu.dma_semaphore, #tpu.memory_space<semaphore_mem>>)
    %dma_wait3A_238 = arith.constant 2 : i32
    %dma_wait3A_239 = arith.constant 2 : i32
    %dma_wait3A_240 = arith.constant 0 : i32
    %dma_wait3A_241 = arith.constant 0 : i32
    %dma_wait3A_242 = tpu.memref_slice %arg6[%dma_wait3A_238, %dma_wait3A_240, %dma_wait3A_241] : memref<4x64x128xf32, #tpu.memory_space<vmem>> -> memref<1x64x128xf32, #tpu.memory_space<vmem>>
    %dma_wait3A_243 = tpu.memref_squeeze %dma_wait3A_242 : memref<1x64x128xf32, #tpu.memory_space<vmem>> -> memref<64x128xf32, #tpu.memory_space<vmem>>
    %dma_wait3A_244 = arith.constant 0 : i32
    %dma_wait3A_245 = arith.constant 0 : i32
    %dma_wait3A_246 = tpu.memref_slice %arg4[%add3A, %dma_wait3A_244, %dma_wait3A_245] : memref<32x25600x128xf32, #tpu.memory_space<hbm>> -> memref<1x64x128xf32, #tpu.memory_space<hbm>>
    %dma_wait3A_247 = tpu.memref_squeeze %dma_wait3A_246 : memref<1x64x128xf32, #tpu.memory_space<hbm>> -> memref<64x128xf32, #tpu.memory_space<hbm>>
    %dma_wait3A_248 = tpu.memref_slice %arg9[%dma_wait3A_239] : memref<4x!tpu.dma_semaphore, #tpu.memory_space<semaphore_mem>> -> memref<1x!tpu.dma_semaphore, #tpu.memory_space<semaphore_mem>>
    %dma_wait3A_249 = tpu.memref_squeeze %dma_wait3A_248 : memref<1x!tpu.dma_semaphore, #tpu.memory_space<semaphore_mem>> -> memref<!tpu.dma_semaphore, #tpu.memory_space<semaphore_mem>>
    %dma_wait3A_250 = arith.constant 0 : i32
    %dma_wait3A_251 = arith.constant 0 : i32
    %dma_wait3A_252 = tpu.memref_slice %arg4[%add3A, %dma_wait3A_250, %dma_wait3A_251] : memref<32x25600x128xf32, #tpu.memory_space<hbm>> -> memref<1x64x128xf32, #tpu.memory_space<hbm>>
    %dma_wait3A_253 = tpu.memref_squeeze %dma_wait3A_252 : memref<1x64x128xf32, #tpu.memory_space<hbm>> -> memref<64x128xf32, #tpu.memory_space<hbm>>
    %dma_wait3A_254 = arith.constant 0 : i32
    %dma_wait3A_255 = arith.constant 0 : i32
    %dma_wait3A_256 = tpu.memref_slice %arg6[%dma_wait3A_238, %dma_wait3A_254, %dma_wait3A_255] : memref<4x64x128xf32, #tpu.memory_space<vmem>> -> memref<1x64x128xf32, #tpu.memory_space<vmem>>
    %dma_wait3A_257 = tpu.memref_squeeze %dma_wait3A_256 : memref<1x64x128xf32, #tpu.memory_space<vmem>> -> memref<64x128xf32, #tpu.memory_space<vmem>>
    tpu.wait_dma2 semaphore(%dma_wait3A_249 : memref<!tpu.dma_semaphore, #tpu.memory_space<semaphore_mem>>) src(%dma_wait3A_257 : memref<64x128xf32, #tpu.memory_space<vmem>>) dst(%dma_wait3A_253 : memref<64x128xf32, #tpu.memory_space<hbm>>)
    %dma_start3A_258 = arith.constant 3 : i32
    %dma_start3A_259 = arith.constant 2 : i32
    %dma_start3A_260 = arith.constant 2 : i32
    %dma_start3A_261 = arith.constant 0 : i32
    %dma_start3A_262 = arith.constant 0 : i32
    %dma_start3A_263 = tpu.memref_slice %arg6[%dma_start3A_259, %dma_start3A_261, %dma_start3A_262] : memref<4x64x128xf32, #tpu.memory_space<vmem>> -> memref<1x64x128xf32, #tpu.memory_space<vmem>>
    %dma_start3A_264 = tpu.memref_squeeze %dma_start3A_263 : memref<1x64x128xf32, #tpu.memory_space<vmem>> -> memref<64x128xf32, #tpu.memory_space<vmem>>
    %dma_start3A_265 = arith.constant 0 : i32
    %dma_start3A_266 = tpu.memref_slice %arg5[%dma_start3A_258, %dma_start3A_265] : memref<200x128xi32, #tpu.memory_space<vmem>> -> memref<1x64xi32, #tpu.memory_space<vmem>>
    %dma_start3A_267 = tpu.memref_squeeze %dma_start3A_266 : memref<1x64xi32, #tpu.memory_space<vmem>> -> memref<64xi32, #tpu.memory_space<vmem>>
    %dma_start3A_268 = arith.constant 0 : i32
    %dma_start3A_269 = arith.constant 0 : i32
    %dma_start3A_270 = tpu.memref_slice %arg7[%dma_start3A_268, %dma_start3A_269] : memref<8192x128xf32, #tpu.memory_space<vmem_shared>> -> memref<8192x128xf32, #tpu.memory_space<vmem_shared>>
    %dma_start3A_271 = tpu.memref_slice %arg8[%dma_start3A_260] : memref<4x!tpu.dma_semaphore, #tpu.memory_space<semaphore_mem>> -> memref<1x!tpu.dma_semaphore, #tpu.memory_space<semaphore_mem>>
    %dma_start3A_272 = tpu.memref_squeeze %dma_start3A_271 : memref<1x!tpu.dma_semaphore, #tpu.memory_space<semaphore_mem>> -> memref<!tpu.dma_semaphore, #tpu.memory_space<semaphore_mem>>
    tpu.enqueue_indirect_dma source(%dma_start3A_270 : memref<8192x128xf32, #tpu.memory_space<vmem_shared>>) target(%dma_start3A_264 : memref<64x128xf32, #tpu.memory_space<vmem>>) offsets(%dma_start3A_267 : memref<64xi32, #tpu.memory_space<vmem>>) semaphore(%dma_start3A_272 : memref<!tpu.dma_semaphore, #tpu.memory_space<semaphore_mem>>)
    %dma_wait3A_273 = arith.constant 1 : i32
    %dma_wait3A_274 = arith.constant 3 : i32
    %dma_wait3A_275 = arith.constant 3 : i32
    %dma_wait3A_276 = arith.constant 0 : i32
    %dma_wait3A_277 = arith.constant 0 : i32
    %dma_wait3A_278 = tpu.memref_slice %arg6[%dma_wait3A_274, %dma_wait3A_276, %dma_wait3A_277] : memref<4x64x128xf32, #tpu.memory_space<vmem>> -> memref<1x64x128xf32, #tpu.memory_space<vmem>>
    %dma_wait3A_279 = tpu.memref_squeeze %dma_wait3A_278 : memref<1x64x128xf32, #tpu.memory_space<vmem>> -> memref<64x128xf32, #tpu.memory_space<vmem>>
    %dma_wait3A_280 = arith.constant 64 : i32
    %dma_wait3A_281 = tpu.memref_slice %arg5[%dma_wait3A_273, %dma_wait3A_280] : memref<200x128xi32, #tpu.memory_space<vmem>> -> memref<1x64xi32, #tpu.memory_space<vmem>>
    %dma_wait3A_282 = tpu.memref_squeeze %dma_wait3A_281 : memref<1x64xi32, #tpu.memory_space<vmem>> -> memref<64xi32, #tpu.memory_space<vmem>>
    %dma_wait3A_283 = arith.constant 0 : i32
    %dma_wait3A_284 = arith.constant 0 : i32
    %dma_wait3A_285 = tpu.memref_slice %arg7[%dma_wait3A_283, %dma_wait3A_284] : memref<8192x128xf32, #tpu.memory_space<vmem_shared>> -> memref<8192x128xf32, #tpu.memory_space<vmem_shared>>
    %dma_wait3A_286 = tpu.memref_slice %arg8[%dma_wait3A_275] : memref<4x!tpu.dma_semaphore, #tpu.memory_space<semaphore_mem>> -> memref<1x!tpu.dma_semaphore, #tpu.memory_space<semaphore_mem>>
    %dma_wait3A_287 = tpu.memref_squeeze %dma_wait3A_286 : memref<1x!tpu.dma_semaphore, #tpu.memory_space<semaphore_mem>> -> memref<!tpu.dma_semaphore, #tpu.memory_space<semaphore_mem>>
    tpu.wait_indirect_dma semaphore(%dma_wait3A_287 : memref<!tpu.dma_semaphore, #tpu.memory_space<semaphore_mem>>) src(%dma_wait3A_285 : memref<8192x128xf32, #tpu.memory_space<vmem_shared>>) dst(%dma_wait3A_279 : memref<64x128xf32, #tpu.memory_space<vmem>>)
    %dma_start3A_288 = arith.constant 3 : i32
    %dma_start3A_289 = arith.constant 3 : i32
    %dma_start3A_290 = arith.constant 0 : i32
    %dma_start3A_291 = arith.constant 0 : i32
    %dma_start3A_292 = tpu.memref_slice %arg6[%dma_start3A_288, %dma_start3A_290, %dma_start3A_291] : memref<4x64x128xf32, #tpu.memory_space<vmem>> -> memref<1x64x128xf32, #tpu.memory_space<vmem>>
    %dma_start3A_293 = tpu.memref_squeeze %dma_start3A_292 : memref<1x64x128xf32, #tpu.memory_space<vmem>> -> memref<64x128xf32, #tpu.memory_space<vmem>>
    %dma_start3A_294 = arith.constant 192 : i32
    %dma_start3A_295 = arith.constant 0 : i32
    %dma_start3A_296 = tpu.memref_slice %arg4[%add3A, %dma_start3A_294, %dma_start3A_295] : memref<32x25600x128xf32, #tpu.memory_space<hbm>> -> memref<1x64x128xf32, #tpu.memory_space<hbm>>
    %dma_start3A_297 = tpu.memref_squeeze %dma_start3A_296 : memref<1x64x128xf32, #tpu.memory_space<hbm>> -> memref<64x128xf32, #tpu.memory_space<hbm>>
    %dma_start3A_298 = tpu.memref_slice %arg9[%dma_start3A_289] : memref<4x!tpu.dma_semaphore, #tpu.memory_space<semaphore_mem>> -> memref<1x!tpu.dma_semaphore, #tpu.memory_space<semaphore_mem>>
    %dma_start3A_299 = tpu.memref_squeeze %dma_start3A_298 : memref<1x!tpu.dma_semaphore, #tpu.memory_space<semaphore_mem>> -> memref<!tpu.dma_semaphore, #tpu.memory_space<semaphore_mem>>
    %dma_start3A_300 = arith.constant 192 : i32
    %dma_start3A_301 = arith.constant 0 : i32
    %dma_start3A_302 = tpu.memref_slice %arg4[%add3A, %dma_start3A_300, %dma_start3A_301] : memref<32x25600x128xf32, #tpu.memory_space<hbm>> -> memref<1x64x128xf32, #tpu.memory_space<hbm>>
    %dma_start3A_303 = tpu.memref_squeeze %dma_start3A_302 : memref<1x64x128xf32, #tpu.memory_space<hbm>> -> memref<64x128xf32, #tpu.memory_space<hbm>>
    %dma_start3A_304 = arith.constant 0 : i32
    %dma_start3A_305 = arith.constant 0 : i32
    %dma_start3A_306 = tpu.memref_slice %arg6[%dma_start3A_288, %dma_start3A_304, %dma_start3A_305] : memref<4x64x128xf32, #tpu.memory_space<vmem>> -> memref<1x64x128xf32, #tpu.memory_space<vmem>>
    %dma_start3A_307 = tpu.memref_squeeze %dma_start3A_306 : memref<1x64x128xf32, #tpu.memory_space<vmem>> -> memref<64x128xf32, #tpu.memory_space<vmem>>
    tpu.enqueue_dma source(%dma_start3A_307 : memref<64x128xf32, #tpu.memory_space<vmem>>) target(%dma_start3A_303 : memref<64x128xf32, #tpu.memory_space<hbm>>) target_semaphore(%dma_start3A_299 : memref<!tpu.dma_semaphore, #tpu.memory_space<semaphore_mem>>)
    %scan3A = arith.constant 0 : i32
    %scan3A_308 = arith.constant 1 : i32
    %scan3A_309 = arith.constant 98 : i32
    %scan3A_310 = arith.addi %scan3A_308, %scan3A_309 : i32
    %scan3A_311 = arith.constant 1 : i32
    scf.for %scan3A_568 = %scan3A_308 to %scan3A_310 step %scan3A_311  : i32 {
      %mul3A_569 = arith.constant 4 : i32
      %mul3A_570 = arith.muli %scan3A_568, %mul3A_569 : i32
      %add3A_571 = arith.constant 0 : i32
      %add3A_572 = arith.addi %mul3A_570, %add3A_571 : i32
      %dma_wait3A_573 = arith.constant 3 : i32
      %dma_wait3A_574 = arith.constant 3 : i32
      %dma_wait3A_575 = arith.constant 0 : i32
      %dma_wait3A_576 = arith.constant 0 : i32
      %dma_wait3A_577 = tpu.memref_slice %arg6[%dma_wait3A_573, %dma_wait3A_575, %dma_wait3A_576] : memref<4x64x128xf32, #tpu.memory_space<vmem>> -> memref<1x64x128xf32, #tpu.memory_space<vmem>>
      %dma_wait3A_578 = tpu.memref_squeeze %dma_wait3A_577 : memref<1x64x128xf32, #tpu.memory_space<vmem>> -> memref<64x128xf32, #tpu.memory_space<vmem>>
      %dma_wait3A_579 = arith.constant 0 : i32
      %dma_wait3A_580 = arith.constant 0 : i32
      %dma_wait3A_581 = tpu.memref_slice %arg4[%add3A, %dma_wait3A_579, %dma_wait3A_580] : memref<32x25600x128xf32, #tpu.memory_space<hbm>> -> memref<1x64x128xf32, #tpu.memory_space<hbm>>
      %dma_wait3A_582 = tpu.memref_squeeze %dma_wait3A_581 : memref<1x64x128xf32, #tpu.memory_space<hbm>> -> memref<64x128xf32, #tpu.memory_space<hbm>>
      %dma_wait3A_583 = tpu.memref_slice %arg9[%dma_wait3A_574] : memref<4x!tpu.dma_semaphore, #tpu.memory_space<semaphore_mem>> -> memref<1x!tpu.dma_semaphore, #tpu.memory_space<semaphore_mem>>
      %dma_wait3A_584 = tpu.memref_squeeze %dma_wait3A_583 : memref<1x!tpu.dma_semaphore, #tpu.memory_space<semaphore_mem>> -> memref<!tpu.dma_semaphore, #tpu.memory_space<semaphore_mem>>
      %dma_wait3A_585 = arith.constant 0 : i32
      %dma_wait3A_586 = arith.constant 0 : i32
      %dma_wait3A_587 = tpu.memref_slice %arg4[%add3A, %dma_wait3A_585, %dma_wait3A_586] : memref<32x25600x128xf32, #tpu.memory_space<hbm>> -> memref<1x64x128xf32, #tpu.memory_space<hbm>>
      %dma_wait3A_588 = tpu.memref_squeeze %dma_wait3A_587 : memref<1x64x128xf32, #tpu.memory_space<hbm>> -> memref<64x128xf32, #tpu.memory_space<hbm>>
      %dma_wait3A_589 = arith.constant 0 : i32
      %dma_wait3A_590 = arith.constant 0 : i32
      %dma_wait3A_591 = tpu.memref_slice %arg6[%dma_wait3A_573, %dma_wait3A_589, %dma_wait3A_590] : memref<4x64x128xf32, #tpu.memory_space<vmem>> -> memref<1x64x128xf32, #tpu.memory_space<vmem>>
      %dma_wait3A_592 = tpu.memref_squeeze %dma_wait3A_591 : memref<1x64x128xf32, #tpu.memory_space<vmem>> -> memref<64x128xf32, #tpu.memory_space<vmem>>
      tpu.wait_dma2 semaphore(%dma_wait3A_584 : memref<!tpu.dma_semaphore, #tpu.memory_space<semaphore_mem>>) src(%dma_wait3A_592 : memref<64x128xf32, #tpu.memory_space<vmem>>) dst(%dma_wait3A_588 : memref<64x128xf32, #tpu.memory_space<hbm>>)
      %add3A_593 = arith.constant 4 : i32
      %add3A_594 = arith.addi %add3A_572, %add3A_593 : i32
      %sub3A = arith.constant 1 : i32
      %sub3A_595 = arith.subi %add3A_594, %sub3A : i32
      %jit3A = arith.constant 2 : i32
      %div3A = arith.divsi %sub3A_595, %jit3A : i32
      %sign3A = arith.constant 0 : i32
      %sign3A_596 = arith.cmpi sgt, %sub3A_595, %sign3A : i32
      %sign3A_597 = arith.extui %sign3A_596 : i1 to i32
      %sign3A_598 = arith.constant 0 : i32
      %sign3A_599 = arith.cmpi slt, %sub3A_595, %sign3A_598 : i32
      %sign3A_600 = arith.extui %sign3A_599 : i1 to i32
      %sign3A_601 = arith.subi %sign3A_597, %sign3A_600 : i32
      %sign3A_602 = arith.constant 0 : i32
      %sign3A_603 = arith.cmpi sgt, %jit3A, %sign3A_602 : i32
      %sign3A_604 = arith.extui %sign3A_603 : i1 to i32
      %sign3A_605 = arith.constant 0 : i32
      %sign3A_606 = arith.cmpi slt, %jit3A, %sign3A_605 : i32
      %sign3A_607 = arith.extui %sign3A_606 : i1 to i32
      %sign3A_608 = arith.subi %sign3A_604, %sign3A_607 : i32
      %ne3A = arith.cmpi ne, %sign3A_601, %sign3A_608 : i32
      %rem3A = arith.remsi %sub3A_595, %jit3A : i32
      %ne3A_609 = arith.constant 0 : i32
      %ne3A_610 = arith.cmpi ne, %rem3A, %ne3A_609 : i32
      %and3A = arith.andi %ne3A, %ne3A_610 : i1
      %sub3A_611 = arith.constant 1 : i32
      %sub3A_612 = arith.subi %div3A, %sub3A_611 : i32
      %select_n3A = arith.select %and3A, %sub3A_612, %div3A : i32
      %dma_start3A_613 = arith.constant 3 : i32
      %dma_start3A_614 = arith.constant 3 : i32
      %dma_start3A_615 = arith.constant 0 : i32
      %dma_start3A_616 = arith.constant 0 : i32
      %dma_start3A_617 = tpu.memref_slice %arg6[%dma_start3A_613, %dma_start3A_615, %dma_start3A_616] : memref<4x64x128xf32, #tpu.memory_space<vmem>> -> memref<1x64x128xf32, #tpu.memory_space<vmem>>
      %dma_start3A_618 = tpu.memref_squeeze %dma_start3A_617 : memref<1x64x128xf32, #tpu.memory_space<vmem>> -> memref<64x128xf32, #tpu.memory_space<vmem>>
      %dma_start3A_619 = arith.constant 64 : i32
      %dma_start3A_620 = tpu.memref_slice %arg5[%select_n3A, %dma_start3A_619] : memref<200x128xi32, #tpu.memory_space<vmem>> -> memref<1x64xi32, #tpu.memory_space<vmem>>
      %dma_start3A_621 = tpu.memref_squeeze %dma_start3A_620 : memref<1x64xi32, #tpu.memory_space<vmem>> -> memref<64xi32, #tpu.memory_space<vmem>>
      %dma_start3A_622 = arith.constant 0 : i32
      %dma_start3A_623 = arith.constant 0 : i32
      %dma_start3A_624 = tpu.memref_slice %arg7[%dma_start3A_622, %dma_start3A_623] : memref<8192x128xf32, #tpu.memory_space<vmem_shared>> -> memref<8192x128xf32, #tpu.memory_space<vmem_shared>>
      %dma_start3A_625 = tpu.memref_slice %arg8[%dma_start3A_614] : memref<4x!tpu.dma_semaphore, #tpu.memory_space<semaphore_mem>> -> memref<1x!tpu.dma_semaphore, #tpu.memory_space<semaphore_mem>>
      %dma_start3A_626 = tpu.memref_squeeze %dma_start3A_625 : memref<1x!tpu.dma_semaphore, #tpu.memory_space<semaphore_mem>> -> memref<!tpu.dma_semaphore, #tpu.memory_space<semaphore_mem>>
      tpu.enqueue_indirect_dma source(%dma_start3A_624 : memref<8192x128xf32, #tpu.memory_space<vmem_shared>>) target(%dma_start3A_618 : memref<64x128xf32, #tpu.memory_space<vmem>>) offsets(%dma_start3A_621 : memref<64xi32, #tpu.memory_space<vmem>>) semaphore(%dma_start3A_626 : memref<!tpu.dma_semaphore, #tpu.memory_space<semaphore_mem>>)
      %jit3A_627 = arith.constant 2 : i32
      %div3A_628 = arith.divsi %add3A_572, %jit3A_627 : i32
      %sign3A_629 = arith.constant 0 : i32
      %sign3A_630 = arith.cmpi sgt, %add3A_572, %sign3A_629 : i32
      %sign3A_631 = arith.extui %sign3A_630 : i1 to i32
      %sign3A_632 = arith.constant 0 : i32
      %sign3A_633 = arith.cmpi slt, %add3A_572, %sign3A_632 : i32
      %sign3A_634 = arith.extui %sign3A_633 : i1 to i32
      %sign3A_635 = arith.subi %sign3A_631, %sign3A_634 : i32
      %sign3A_636 = arith.constant 0 : i32
      %sign3A_637 = arith.cmpi sgt, %jit3A_627, %sign3A_636 : i32
      %sign3A_638 = arith.extui %sign3A_637 : i1 to i32
      %sign3A_639 = arith.constant 0 : i32
      %sign3A_640 = arith.cmpi slt, %jit3A_627, %sign3A_639 : i32
      %sign3A_641 = arith.extui %sign3A_640 : i1 to i32
      %sign3A_642 = arith.subi %sign3A_638, %sign3A_641 : i32
      %ne3A_643 = arith.cmpi ne, %sign3A_635, %sign3A_642 : i32
      %rem3A_644 = arith.remsi %add3A_572, %jit3A_627 : i32
      %ne3A_645 = arith.constant 0 : i32
      %ne3A_646 = arith.cmpi ne, %rem3A_644, %ne3A_645 : i32
      %and3A_647 = arith.andi %ne3A_643, %ne3A_646 : i1
      %sub3A_648 = arith.constant 1 : i32
      %sub3A_649 = arith.subi %div3A_628, %sub3A_648 : i32
      %select_n3A_650 = arith.select %and3A_647, %sub3A_649, %div3A_628 : i32
      %dma_wait3A_651 = arith.constant 0 : i32
      %dma_wait3A_652 = arith.constant 0 : i32
      %dma_wait3A_653 = arith.constant 0 : i32
      %dma_wait3A_654 = arith.constant 0 : i32
      %dma_wait3A_655 = tpu.memref_slice %arg6[%dma_wait3A_651, %dma_wait3A_653, %dma_wait3A_654] : memref<4x64x128xf32, #tpu.memory_space<vmem>> -> memref<1x64x128xf32, #tpu.memory_space<vmem>>
      %dma_wait3A_656 = tpu.memref_squeeze %dma_wait3A_655 : memref<1x64x128xf32, #tpu.memory_space<vmem>> -> memref<64x128xf32, #tpu.memory_space<vmem>>
      %dma_wait3A_657 = arith.constant 0 : i32
      %dma_wait3A_658 = tpu.memref_slice %arg5[%select_n3A_650, %dma_wait3A_657] : memref<200x128xi32, #tpu.memory_space<vmem>> -> memref<1x64xi32, #tpu.memory_space<vmem>>
      %dma_wait3A_659 = tpu.memref_squeeze %dma_wait3A_658 : memref<1x64xi32, #tpu.memory_space<vmem>> -> memref<64xi32, #tpu.memory_space<vmem>>
      %dma_wait3A_660 = arith.constant 0 : i32
      %dma_wait3A_661 = arith.constant 0 : i32
      %dma_wait3A_662 = tpu.memref_slice %arg7[%dma_wait3A_660, %dma_wait3A_661] : memref<8192x128xf32, #tpu.memory_space<vmem_shared>> -> memref<8192x128xf32, #tpu.memory_space<vmem_shared>>
      %dma_wait3A_663 = tpu.memref_slice %arg8[%dma_wait3A_652] : memref<4x!tpu.dma_semaphore, #tpu.memory_space<semaphore_mem>> -> memref<1x!tpu.dma_semaphore, #tpu.memory_space<semaphore_mem>>
      %dma_wait3A_664 = tpu.memref_squeeze %dma_wait3A_663 : memref<1x!tpu.dma_semaphore, #tpu.memory_space<semaphore_mem>> -> memref<!tpu.dma_semaphore, #tpu.memory_space<semaphore_mem>>
      tpu.wait_indirect_dma semaphore(%dma_wait3A_664 : memref<!tpu.dma_semaphore, #tpu.memory_space<semaphore_mem>>) src(%dma_wait3A_662 : memref<8192x128xf32, #tpu.memory_space<vmem_shared>>) dst(%dma_wait3A_656 : memref<64x128xf32, #tpu.memory_space<vmem>>)
      %mul3A_665 = arith.constant 64 : i32
      %mul3A_666 = arith.muli %add3A_572, %mul3A_665 : i32
      %dma_start3A_667 = arith.constant 0 : i32
      %dma_start3A_668 = arith.constant 0 : i32
      %dma_start3A_669 = arith.constant 0 : i32
      %dma_start3A_670 = arith.constant 0 : i32
      %dma_start3A_671 = tpu.memref_slice %arg6[%dma_start3A_667, %dma_start3A_669, %dma_start3A_670] : memref<4x64x128xf32, #tpu.memory_space<vmem>> -> memref<1x64x128xf32, #tpu.memory_space<vmem>>
      %dma_start3A_672 = tpu.memref_squeeze %dma_start3A_671 : memref<1x64x128xf32, #tpu.memory_space<vmem>> -> memref<64x128xf32, #tpu.memory_space<vmem>>
      %dma_start3A_673 = arith.constant 0 : i32
      %dma_start3A_674 = tpu.memref_slice %arg4[%add3A, %mul3A_666, %dma_start3A_673] : memref<32x25600x128xf32, #tpu.memory_space<hbm>> -> memref<1x64x128xf32, #tpu.memory_space<hbm>>
      %dma_start3A_675 = tpu.memref_squeeze %dma_start3A_674 : memref<1x64x128xf32, #tpu.memory_space<hbm>> -> memref<64x128xf32, #tpu.memory_space<hbm>>
      %dma_start3A_676 = tpu.memref_slice %arg9[%dma_start3A_668] : memref<4x!tpu.dma_semaphore, #tpu.memory_space<semaphore_mem>> -> memref<1x!tpu.dma_semaphore, #tpu.memory_space<semaphore_mem>>
      %dma_start3A_677 = tpu.memref_squeeze %dma_start3A_676 : memref<1x!tpu.dma_semaphore, #tpu.memory_space<semaphore_mem>> -> memref<!tpu.dma_semaphore, #tpu.memory_space<semaphore_mem>>
      %dma_start3A_678 = arith.constant 0 : i32
      %dma_start3A_679 = tpu.memref_slice %arg4[%add3A, %mul3A_666, %dma_start3A_678] : memref<32x25600x128xf32, #tpu.memory_space<hbm>> -> memref<1x64x128xf32, #tpu.memory_space<hbm>>
      %dma_start3A_680 = tpu.memref_squeeze %dma_start3A_679 : memref<1x64x128xf32, #tpu.memory_space<hbm>> -> memref<64x128xf32, #tpu.memory_space<hbm>>
      %dma_start3A_681 = arith.constant 0 : i32
      %dma_start3A_682 = arith.constant 0 : i32
      %dma_start3A_683 = tpu.memref_slice %arg6[%dma_start3A_667, %dma_start3A_681, %dma_start3A_682] : memref<4x64x128xf32, #tpu.memory_space<vmem>> -> memref<1x64x128xf32, #tpu.memory_space<vmem>>
      %dma_start3A_684 = tpu.memref_squeeze %dma_start3A_683 : memref<1x64x128xf32, #tpu.memory_space<vmem>> -> memref<64x128xf32, #tpu.memory_space<vmem>>
      tpu.enqueue_dma source(%dma_start3A_684 : memref<64x128xf32, #tpu.memory_space<vmem>>) target(%dma_start3A_680 : memref<64x128xf32, #tpu.memory_space<hbm>>) target_semaphore(%dma_start3A_677 : memref<!tpu.dma_semaphore, #tpu.memory_space<semaphore_mem>>)
      %add3A_685 = arith.constant 1 : i32
      %add3A_686 = arith.addi %mul3A_570, %add3A_685 : i32
      %dma_wait3A_687 = arith.constant 0 : i32
      %dma_wait3A_688 = arith.constant 0 : i32
      %dma_wait3A_689 = arith.constant 0 : i32
      %dma_wait3A_690 = arith.constant 0 : i32
      %dma_wait3A_691 = tpu.memref_slice %arg6[%dma_wait3A_687, %dma_wait3A_689, %dma_wait3A_690] : memref<4x64x128xf32, #tpu.memory_space<vmem>> -> memref<1x64x128xf32, #tpu.memory_space<vmem>>
      %dma_wait3A_692 = tpu.memref_squeeze %dma_wait3A_691 : memref<1x64x128xf32, #tpu.memory_space<vmem>> -> memref<64x128xf32, #tpu.memory_space<vmem>>
      %dma_wait3A_693 = arith.constant 0 : i32
      %dma_wait3A_694 = arith.constant 0 : i32
      %dma_wait3A_695 = tpu.memref_slice %arg4[%add3A, %dma_wait3A_693, %dma_wait3A_694] : memref<32x25600x128xf32, #tpu.memory_space<hbm>> -> memref<1x64x128xf32, #tpu.memory_space<hbm>>
      %dma_wait3A_696 = tpu.memref_squeeze %dma_wait3A_695 : memref<1x64x128xf32, #tpu.memory_space<hbm>> -> memref<64x128xf32, #tpu.memory_space<hbm>>
      %dma_wait3A_697 = tpu.memref_slice %arg9[%dma_wait3A_688] : memref<4x!tpu.dma_semaphore, #tpu.memory_space<semaphore_mem>> -> memref<1x!tpu.dma_semaphore, #tpu.memory_space<semaphore_mem>>
      %dma_wait3A_698 = tpu.memref_squeeze %dma_wait3A_697 : memref<1x!tpu.dma_semaphore, #tpu.memory_space<semaphore_mem>> -> memref<!tpu.dma_semaphore, #tpu.memory_space<semaphore_mem>>
      %dma_wait3A_699 = arith.constant 0 : i32
      %dma_wait3A_700 = arith.constant 0 : i32
      %dma_wait3A_701 = tpu.memref_slice %arg4[%add3A, %dma_wait3A_699, %dma_wait3A_700] : memref<32x25600x128xf32, #tpu.memory_space<hbm>> -> memref<1x64x128xf32, #tpu.memory_space<hbm>>
      %dma_wait3A_702 = tpu.memref_squeeze %dma_wait3A_701 : memref<1x64x128xf32, #tpu.memory_space<hbm>> -> memref<64x128xf32, #tpu.memory_space<hbm>>
      %dma_wait3A_703 = arith.constant 0 : i32
      %dma_wait3A_704 = arith.constant 0 : i32
      %dma_wait3A_705 = tpu.memref_slice %arg6[%dma_wait3A_687, %dma_wait3A_703, %dma_wait3A_704] : memref<4x64x128xf32, #tpu.memory_space<vmem>> -> memref<1x64x128xf32, #tpu.memory_space<vmem>>
      %dma_wait3A_706 = tpu.memref_squeeze %dma_wait3A_705 : memref<1x64x128xf32, #tpu.memory_space<vmem>> -> memref<64x128xf32, #tpu.memory_space<vmem>>
      tpu.wait_dma2 semaphore(%dma_wait3A_698 : memref<!tpu.dma_semaphore, #tpu.memory_space<semaphore_mem>>) src(%dma_wait3A_706 : memref<64x128xf32, #tpu.memory_space<vmem>>) dst(%dma_wait3A_702 : memref<64x128xf32, #tpu.memory_space<hbm>>)
      %add3A_707 = arith.constant 4 : i32
      %add3A_708 = arith.addi %add3A_686, %add3A_707 : i32
      %sub3A_709 = arith.constant 1 : i32
      %sub3A_710 = arith.subi %add3A_708, %sub3A_709 : i32
      %jit3A_711 = arith.constant 2 : i32
      %div3A_712 = arith.divsi %sub3A_710, %jit3A_711 : i32
      %sign3A_713 = arith.constant 0 : i32
      %sign3A_714 = arith.cmpi sgt, %sub3A_710, %sign3A_713 : i32
      %sign3A_715 = arith.extui %sign3A_714 : i1 to i32
      %sign3A_716 = arith.constant 0 : i32
      %sign3A_717 = arith.cmpi slt, %sub3A_710, %sign3A_716 : i32
      %sign3A_718 = arith.extui %sign3A_717 : i1 to i32
      %sign3A_719 = arith.subi %sign3A_715, %sign3A_718 : i32
      %sign3A_720 = arith.constant 0 : i32
      %sign3A_721 = arith.cmpi sgt, %jit3A_711, %sign3A_720 : i32
      %sign3A_722 = arith.extui %sign3A_721 : i1 to i32
      %sign3A_723 = arith.constant 0 : i32
      %sign3A_724 = arith.cmpi slt, %jit3A_711, %sign3A_723 : i32
      %sign3A_725 = arith.extui %sign3A_724 : i1 to i32
      %sign3A_726 = arith.subi %sign3A_722, %sign3A_725 : i32
      %ne3A_727 = arith.cmpi ne, %sign3A_719, %sign3A_726 : i32
      %rem3A_728 = arith.remsi %sub3A_710, %jit3A_711 : i32
      %ne3A_729 = arith.constant 0 : i32
      %ne3A_730 = arith.cmpi ne, %rem3A_728, %ne3A_729 : i32
      %and3A_731 = arith.andi %ne3A_727, %ne3A_730 : i1
      %sub3A_732 = arith.constant 1 : i32
      %sub3A_733 = arith.subi %div3A_712, %sub3A_732 : i32
      %select_n3A_734 = arith.select %and3A_731, %sub3A_733, %div3A_712 : i32
      %dma_start3A_735 = arith.constant 0 : i32
      %dma_start3A_736 = arith.constant 0 : i32
      %dma_start3A_737 = arith.constant 0 : i32
      %dma_start3A_738 = arith.constant 0 : i32
      %dma_start3A_739 = tpu.memref_slice %arg6[%dma_start3A_735, %dma_start3A_737, %dma_start3A_738] : memref<4x64x128xf32, #tpu.memory_space<vmem>> -> memref<1x64x128xf32, #tpu.memory_space<vmem>>
      %dma_start3A_740 = tpu.memref_squeeze %dma_start3A_739 : memref<1x64x128xf32, #tpu.memory_space<vmem>> -> memref<64x128xf32, #tpu.memory_space<vmem>>
      %dma_start3A_741 = arith.constant 0 : i32
      %dma_start3A_742 = tpu.memref_slice %arg5[%select_n3A_734, %dma_start3A_741] : memref<200x128xi32, #tpu.memory_space<vmem>> -> memref<1x64xi32, #tpu.memory_space<vmem>>
      %dma_start3A_743 = tpu.memref_squeeze %dma_start3A_742 : memref<1x64xi32, #tpu.memory_space<vmem>> -> memref<64xi32, #tpu.memory_space<vmem>>
      %dma_start3A_744 = arith.constant 0 : i32
      %dma_start3A_745 = arith.constant 0 : i32
      %dma_start3A_746 = tpu.memref_slice %arg7[%dma_start3A_744, %dma_start3A_745] : memref<8192x128xf32, #tpu.memory_space<vmem_shared>> -> memref<8192x128xf32, #tpu.memory_space<vmem_shared>>
      %dma_start3A_747 = tpu.memref_slice %arg8[%dma_start3A_736] : memref<4x!tpu.dma_semaphore, #tpu.memory_space<semaphore_mem>> -> memref<1x!tpu.dma_semaphore, #tpu.memory_space<semaphore_mem>>
      %dma_start3A_748 = tpu.memref_squeeze %dma_start3A_747 : memref<1x!tpu.dma_semaphore, #tpu.memory_space<semaphore_mem>> -> memref<!tpu.dma_semaphore, #tpu.memory_space<semaphore_mem>>
      tpu.enqueue_indirect_dma source(%dma_start3A_746 : memref<8192x128xf32, #tpu.memory_space<vmem_shared>>) target(%dma_start3A_740 : memref<64x128xf32, #tpu.memory_space<vmem>>) offsets(%dma_start3A_743 : memref<64xi32, #tpu.memory_space<vmem>>) semaphore(%dma_start3A_748 : memref<!tpu.dma_semaphore, #tpu.memory_space<semaphore_mem>>)
      %jit3A_749 = arith.constant 2 : i32
      %div3A_750 = arith.divsi %add3A_686, %jit3A_749 : i32
      %sign3A_751 = arith.constant 0 : i32
      %sign3A_752 = arith.cmpi sgt, %add3A_686, %sign3A_751 : i32
      %sign3A_753 = arith.extui %sign3A_752 : i1 to i32
      %sign3A_754 = arith.constant 0 : i32
      %sign3A_755 = arith.cmpi slt, %add3A_686, %sign3A_754 : i32
      %sign3A_756 = arith.extui %sign3A_755 : i1 to i32
      %sign3A_757 = arith.subi %sign3A_753, %sign3A_756 : i32
      %sign3A_758 = arith.constant 0 : i32
      %sign3A_759 = arith.cmpi sgt, %jit3A_749, %sign3A_758 : i32
      %sign3A_760 = arith.extui %sign3A_759 : i1 to i32
      %sign3A_761 = arith.constant 0 : i32
      %sign3A_762 = arith.cmpi slt, %jit3A_749, %sign3A_761 : i32
      %sign3A_763 = arith.extui %sign3A_762 : i1 to i32
      %sign3A_764 = arith.subi %sign3A_760, %sign3A_763 : i32
      %ne3A_765 = arith.cmpi ne, %sign3A_757, %sign3A_764 : i32
      %rem3A_766 = arith.remsi %add3A_686, %jit3A_749 : i32
      %ne3A_767 = arith.constant 0 : i32
      %ne3A_768 = arith.cmpi ne, %rem3A_766, %ne3A_767 : i32
      %and3A_769 = arith.andi %ne3A_765, %ne3A_768 : i1
      %sub3A_770 = arith.constant 1 : i32
      %sub3A_771 = arith.subi %div3A_750, %sub3A_770 : i32
      %select_n3A_772 = arith.select %and3A_769, %sub3A_771, %div3A_750 : i32
      %dma_wait3A_773 = arith.constant 1 : i32
      %dma_wait3A_774 = arith.constant 1 : i32
      %dma_wait3A_775 = arith.constant 0 : i32
      %dma_wait3A_776 = arith.constant 0 : i32
      %dma_wait3A_777 = tpu.memref_slice %arg6[%dma_wait3A_773, %dma_wait3A_775, %dma_wait3A_776] : memref<4x64x128xf32, #tpu.memory_space<vmem>> -> memref<1x64x128xf32, #tpu.memory_space<vmem>>
      %dma_wait3A_778 = tpu.memref_squeeze %dma_wait3A_777 : memref<1x64x128xf32, #tpu.memory_space<vmem>> -> memref<64x128xf32, #tpu.memory_space<vmem>>
      %dma_wait3A_779 = arith.constant 64 : i32
      %dma_wait3A_780 = tpu.memref_slice %arg5[%select_n3A_772, %dma_wait3A_779] : memref<200x128xi32, #tpu.memory_space<vmem>> -> memref<1x64xi32, #tpu.memory_space<vmem>>
      %dma_wait3A_781 = tpu.memref_squeeze %dma_wait3A_780 : memref<1x64xi32, #tpu.memory_space<vmem>> -> memref<64xi32, #tpu.memory_space<vmem>>
      %dma_wait3A_782 = arith.constant 0 : i32
      %dma_wait3A_783 = arith.constant 0 : i32
      %dma_wait3A_784 = tpu.memref_slice %arg7[%dma_wait3A_782, %dma_wait3A_783] : memref<8192x128xf32, #tpu.memory_space<vmem_shared>> -> memref<8192x128xf32, #tpu.memory_space<vmem_shared>>
      %dma_wait3A_785 = tpu.memref_slice %arg8[%dma_wait3A_774] : memref<4x!tpu.dma_semaphore, #tpu.memory_space<semaphore_mem>> -> memref<1x!tpu.dma_semaphore, #tpu.memory_space<semaphore_mem>>
      %dma_wait3A_786 = tpu.memref_squeeze %dma_wait3A_785 : memref<1x!tpu.dma_semaphore, #tpu.memory_space<semaphore_mem>> -> memref<!tpu.dma_semaphore, #tpu.memory_space<semaphore_mem>>
      tpu.wait_indirect_dma semaphore(%dma_wait3A_786 : memref<!tpu.dma_semaphore, #tpu.memory_space<semaphore_mem>>) src(%dma_wait3A_784 : memref<8192x128xf32, #tpu.memory_space<vmem_shared>>) dst(%dma_wait3A_778 : memref<64x128xf32, #tpu.memory_space<vmem>>)
      %mul3A_787 = arith.constant 64 : i32
      %mul3A_788 = arith.muli %add3A_686, %mul3A_787 : i32
      %dma_start3A_789 = arith.constant 1 : i32
      %dma_start3A_790 = arith.constant 1 : i32
      %dma_start3A_791 = arith.constant 0 : i32
      %dma_start3A_792 = arith.constant 0 : i32
      %dma_start3A_793 = tpu.memref_slice %arg6[%dma_start3A_789, %dma_start3A_791, %dma_start3A_792] : memref<4x64x128xf32, #tpu.memory_space<vmem>> -> memref<1x64x128xf32, #tpu.memory_space<vmem>>
      %dma_start3A_794 = tpu.memref_squeeze %dma_start3A_793 : memref<1x64x128xf32, #tpu.memory_space<vmem>> -> memref<64x128xf32, #tpu.memory_space<vmem>>
      %dma_start3A_795 = arith.constant 0 : i32
      %dma_start3A_796 = tpu.memref_slice %arg4[%add3A, %mul3A_788, %dma_start3A_795] : memref<32x25600x128xf32, #tpu.memory_space<hbm>> -> memref<1x64x128xf32, #tpu.memory_space<hbm>>
      %dma_start3A_797 = tpu.memref_squeeze %dma_start3A_796 : memref<1x64x128xf32, #tpu.memory_space<hbm>> -> memref<64x128xf32, #tpu.memory_space<hbm>>
      %dma_start3A_798 = tpu.memref_slice %arg9[%dma_start3A_790] : memref<4x!tpu.dma_semaphore, #tpu.memory_space<semaphore_mem>> -> memref<1x!tpu.dma_semaphore, #tpu.memory_space<semaphore_mem>>
      %dma_start3A_799 = tpu.memref_squeeze %dma_start3A_798 : memref<1x!tpu.dma_semaphore, #tpu.memory_space<semaphore_mem>> -> memref<!tpu.dma_semaphore, #tpu.memory_space<semaphore_mem>>
      %dma_start3A_800 = arith.constant 0 : i32
      %dma_start3A_801 = tpu.memref_slice %arg4[%add3A, %mul3A_788, %dma_start3A_800] : memref<32x25600x128xf32, #tpu.memory_space<hbm>> -> memref<1x64x128xf32, #tpu.memory_space<hbm>>
      %dma_start3A_802 = tpu.memref_squeeze %dma_start3A_801 : memref<1x64x128xf32, #tpu.memory_space<hbm>> -> memref<64x128xf32, #tpu.memory_space<hbm>>
      %dma_start3A_803 = arith.constant 0 : i32
      %dma_start3A_804 = arith.constant 0 : i32
      %dma_start3A_805 = tpu.memref_slice %arg6[%dma_start3A_789, %dma_start3A_803, %dma_start3A_804] : memref<4x64x128xf32, #tpu.memory_space<vmem>> -> memref<1x64x128xf32, #tpu.memory_space<vmem>>
      %dma_start3A_806 = tpu.memref_squeeze %dma_start3A_805 : memref<1x64x128xf32, #tpu.memory_space<vmem>> -> memref<64x128xf32, #tpu.memory_space<vmem>>
      tpu.enqueue_dma source(%dma_start3A_806 : memref<64x128xf32, #tpu.memory_space<vmem>>) target(%dma_start3A_802 : memref<64x128xf32, #tpu.memory_space<hbm>>) target_semaphore(%dma_start3A_799 : memref<!tpu.dma_semaphore, #tpu.memory_space<semaphore_mem>>)
      %add3A_807 = arith.constant 2 : i32
      %add3A_808 = arith.addi %mul3A_570, %add3A_807 : i32
      %dma_wait3A_809 = arith.constant 1 : i32
      %dma_wait3A_810 = arith.constant 1 : i32
      %dma_wait3A_811 = arith.constant 0 : i32
      %dma_wait3A_812 = arith.constant 0 : i32
      %dma_wait3A_813 = tpu.memref_slice %arg6[%dma_wait3A_809, %dma_wait3A_811, %dma_wait3A_812] : memref<4x64x128xf32, #tpu.memory_space<vmem>> -> memref<1x64x128xf32, #tpu.memory_space<vmem>>
      %dma_wait3A_814 = tpu.memref_squeeze %dma_wait3A_813 : memref<1x64x128xf32, #tpu.memory_space<vmem>> -> memref<64x128xf32, #tpu.memory_space<vmem>>
      %dma_wait3A_815 = arith.constant 0 : i32
      %dma_wait3A_816 = arith.constant 0 : i32
      %dma_wait3A_817 = tpu.memref_slice %arg4[%add3A, %dma_wait3A_815, %dma_wait3A_816] : memref<32x25600x128xf32, #tpu.memory_space<hbm>> -> memref<1x64x128xf32, #tpu.memory_space<hbm>>
      %dma_wait3A_818 = tpu.memref_squeeze %dma_wait3A_817 : memref<1x64x128xf32, #tpu.memory_space<hbm>> -> memref<64x128xf32, #tpu.memory_space<hbm>>
      %dma_wait3A_819 = tpu.memref_slice %arg9[%dma_wait3A_810] : memref<4x!tpu.dma_semaphore, #tpu.memory_space<semaphore_mem>> -> memref<1x!tpu.dma_semaphore, #tpu.memory_space<semaphore_mem>>
      %dma_wait3A_820 = tpu.memref_squeeze %dma_wait3A_819 : memref<1x!tpu.dma_semaphore, #tpu.memory_space<semaphore_mem>> -> memref<!tpu.dma_semaphore, #tpu.memory_space<semaphore_mem>>
      %dma_wait3A_821 = arith.constant 0 : i32
      %dma_wait3A_822 = arith.constant 0 : i32
      %dma_wait3A_823 = tpu.memref_slice %arg4[%add3A, %dma_wait3A_821, %dma_wait3A_822] : memref<32x25600x128xf32, #tpu.memory_space<hbm>> -> memref<1x64x128xf32, #tpu.memory_space<hbm>>
      %dma_wait3A_824 = tpu.memref_squeeze %dma_wait3A_823 : memref<1x64x128xf32, #tpu.memory_space<hbm>> -> memref<64x128xf32, #tpu.memory_space<hbm>>
      %dma_wait3A_825 = arith.constant 0 : i32
      %dma_wait3A_826 = arith.constant 0 : i32
      %dma_wait3A_827 = tpu.memref_slice %arg6[%dma_wait3A_809, %dma_wait3A_825, %dma_wait3A_826] : memref<4x64x128xf32, #tpu.memory_space<vmem>> -> memref<1x64x128xf32, #tpu.memory_space<vmem>>
      %dma_wait3A_828 = tpu.memref_squeeze %dma_wait3A_827 : memref<1x64x128xf32, #tpu.memory_space<vmem>> -> memref<64x128xf32, #tpu.memory_space<vmem>>
      tpu.wait_dma2 semaphore(%dma_wait3A_820 : memref<!tpu.dma_semaphore, #tpu.memory_space<semaphore_mem>>) src(%dma_wait3A_828 : memref<64x128xf32, #tpu.memory_space<vmem>>) dst(%dma_wait3A_824 : memref<64x128xf32, #tpu.memory_space<hbm>>)
      %add3A_829 = arith.constant 4 : i32
      %add3A_830 = arith.addi %add3A_808, %add3A_829 : i32
      %sub3A_831 = arith.constant 1 : i32
      %sub3A_832 = arith.subi %add3A_830, %sub3A_831 : i32
      %jit3A_833 = arith.constant 2 : i32
      %div3A_834 = arith.divsi %sub3A_832, %jit3A_833 : i32
      %sign3A_835 = arith.constant 0 : i32
      %sign3A_836 = arith.cmpi sgt, %sub3A_832, %sign3A_835 : i32
      %sign3A_837 = arith.extui %sign3A_836 : i1 to i32
      %sign3A_838 = arith.constant 0 : i32
      %sign3A_839 = arith.cmpi slt, %sub3A_832, %sign3A_838 : i32
      %sign3A_840 = arith.extui %sign3A_839 : i1 to i32
      %sign3A_841 = arith.subi %sign3A_837, %sign3A_840 : i32
      %sign3A_842 = arith.constant 0 : i32
      %sign3A_843 = arith.cmpi sgt, %jit3A_833, %sign3A_842 : i32
      %sign3A_844 = arith.extui %sign3A_843 : i1 to i32
      %sign3A_845 = arith.constant 0 : i32
      %sign3A_846 = arith.cmpi slt, %jit3A_833, %sign3A_845 : i32
      %sign3A_847 = arith.extui %sign3A_846 : i1 to i32
      %sign3A_848 = arith.subi %sign3A_844, %sign3A_847 : i32
      %ne3A_849 = arith.cmpi ne, %sign3A_841, %sign3A_848 : i32
      %rem3A_850 = arith.remsi %sub3A_832, %jit3A_833 : i32
      %ne3A_851 = arith.constant 0 : i32
      %ne3A_852 = arith.cmpi ne, %rem3A_850, %ne3A_851 : i32
      %and3A_853 = arith.andi %ne3A_849, %ne3A_852 : i1
      %sub3A_854 = arith.constant 1 : i32
      %sub3A_855 = arith.subi %div3A_834, %sub3A_854 : i32
      %select_n3A_856 = arith.select %and3A_853, %sub3A_855, %div3A_834 : i32
      %dma_start3A_857 = arith.constant 1 : i32
      %dma_start3A_858 = arith.constant 1 : i32
      %dma_start3A_859 = arith.constant 0 : i32
      %dma_start3A_860 = arith.constant 0 : i32
      %dma_start3A_861 = tpu.memref_slice %arg6[%dma_start3A_857, %dma_start3A_859, %dma_start3A_860] : memref<4x64x128xf32, #tpu.memory_space<vmem>> -> memref<1x64x128xf32, #tpu.memory_space<vmem>>
      %dma_start3A_862 = tpu.memref_squeeze %dma_start3A_861 : memref<1x64x128xf32, #tpu.memory_space<vmem>> -> memref<64x128xf32, #tpu.memory_space<vmem>>
      %dma_start3A_863 = arith.constant 64 : i32
      %dma_start3A_864 = tpu.memref_slice %arg5[%select_n3A_856, %dma_start3A_863] : memref<200x128xi32, #tpu.memory_space<vmem>> -> memref<1x64xi32, #tpu.memory_space<vmem>>
      %dma_start3A_865 = tpu.memref_squeeze %dma_start3A_864 : memref<1x64xi32, #tpu.memory_space<vmem>> -> memref<64xi32, #tpu.memory_space<vmem>>
      %dma_start3A_866 = arith.constant 0 : i32
      %dma_start3A_867 = arith.constant 0 : i32
      %dma_start3A_868 = tpu.memref_slice %arg7[%dma_start3A_866, %dma_start3A_867] : memref<8192x128xf32, #tpu.memory_space<vmem_shared>> -> memref<8192x128xf32, #tpu.memory_space<vmem_shared>>
      %dma_start3A_869 = tpu.memref_slice %arg8[%dma_start3A_858] : memref<4x!tpu.dma_semaphore, #tpu.memory_space<semaphore_mem>> -> memref<1x!tpu.dma_semaphore, #tpu.memory_space<semaphore_mem>>
      %dma_start3A_870 = tpu.memref_squeeze %dma_start3A_869 : memref<1x!tpu.dma_semaphore, #tpu.memory_space<semaphore_mem>> -> memref<!tpu.dma_semaphore, #tpu.memory_space<semaphore_mem>>
      tpu.enqueue_indirect_dma source(%dma_start3A_868 : memref<8192x128xf32, #tpu.memory_space<vmem_shared>>) target(%dma_start3A_862 : memref<64x128xf32, #tpu.memory_space<vmem>>) offsets(%dma_start3A_865 : memref<64xi32, #tpu.memory_space<vmem>>) semaphore(%dma_start3A_870 : memref<!tpu.dma_semaphore, #tpu.memory_space<semaphore_mem>>)
      %jit3A_871 = arith.constant 2 : i32
      %div3A_872 = arith.divsi %add3A_808, %jit3A_871 : i32
      %sign3A_873 = arith.constant 0 : i32
      %sign3A_874 = arith.cmpi sgt, %add3A_808, %sign3A_873 : i32
      %sign3A_875 = arith.extui %sign3A_874 : i1 to i32
      %sign3A_876 = arith.constant 0 : i32
      %sign3A_877 = arith.cmpi slt, %add3A_808, %sign3A_876 : i32
      %sign3A_878 = arith.extui %sign3A_877 : i1 to i32
      %sign3A_879 = arith.subi %sign3A_875, %sign3A_878 : i32
      %sign3A_880 = arith.constant 0 : i32
      %sign3A_881 = arith.cmpi sgt, %jit3A_871, %sign3A_880 : i32
      %sign3A_882 = arith.extui %sign3A_881 : i1 to i32
      %sign3A_883 = arith.constant 0 : i32
      %sign3A_884 = arith.cmpi slt, %jit3A_871, %sign3A_883 : i32
      %sign3A_885 = arith.extui %sign3A_884 : i1 to i32
      %sign3A_886 = arith.subi %sign3A_882, %sign3A_885 : i32
      %ne3A_887 = arith.cmpi ne, %sign3A_879, %sign3A_886 : i32
      %rem3A_888 = arith.remsi %add3A_808, %jit3A_871 : i32
      %ne3A_889 = arith.constant 0 : i32
      %ne3A_890 = arith.cmpi ne, %rem3A_888, %ne3A_889 : i32
      %and3A_891 = arith.andi %ne3A_887, %ne3A_890 : i1
      %sub3A_892 = arith.constant 1 : i32
      %sub3A_893 = arith.subi %div3A_872, %sub3A_892 : i32
      %select_n3A_894 = arith.select %and3A_891, %sub3A_893, %div3A_872 : i32
      %dma_wait3A_895 = arith.constant 2 : i32
      %dma_wait3A_896 = arith.constant 2 : i32
      %dma_wait3A_897 = arith.constant 0 : i32
      %dma_wait3A_898 = arith.constant 0 : i32
      %dma_wait3A_899 = tpu.memref_slice %arg6[%dma_wait3A_895, %dma_wait3A_897, %dma_wait3A_898] : memref<4x64x128xf32, #tpu.memory_space<vmem>> -> memref<1x64x128xf32, #tpu.memory_space<vmem>>
      %dma_wait3A_900 = tpu.memref_squeeze %dma_wait3A_899 : memref<1x64x128xf32, #tpu.memory_space<vmem>> -> memref<64x128xf32, #tpu.memory_space<vmem>>
      %dma_wait3A_901 = arith.constant 0 : i32
      %dma_wait3A_902 = tpu.memref_slice %arg5[%select_n3A_894, %dma_wait3A_901] : memref<200x128xi32, #tpu.memory_space<vmem>> -> memref<1x64xi32, #tpu.memory_space<vmem>>
      %dma_wait3A_903 = tpu.memref_squeeze %dma_wait3A_902 : memref<1x64xi32, #tpu.memory_space<vmem>> -> memref<64xi32, #tpu.memory_space<vmem>>
      %dma_wait3A_904 = arith.constant 0 : i32
      %dma_wait3A_905 = arith.constant 0 : i32
      %dma_wait3A_906 = tpu.memref_slice %arg7[%dma_wait3A_904, %dma_wait3A_905] : memref<8192x128xf32, #tpu.memory_space<vmem_shared>> -> memref<8192x128xf32, #tpu.memory_space<vmem_shared>>
      %dma_wait3A_907 = tpu.memref_slice %arg8[%dma_wait3A_896] : memref<4x!tpu.dma_semaphore, #tpu.memory_space<semaphore_mem>> -> memref<1x!tpu.dma_semaphore, #tpu.memory_space<semaphore_mem>>
      %dma_wait3A_908 = tpu.memref_squeeze %dma_wait3A_907 : memref<1x!tpu.dma_semaphore, #tpu.memory_space<semaphore_mem>> -> memref<!tpu.dma_semaphore, #tpu.memory_space<semaphore_mem>>
      tpu.wait_indirect_dma semaphore(%dma_wait3A_908 : memref<!tpu.dma_semaphore, #tpu.memory_space<semaphore_mem>>) src(%dma_wait3A_906 : memref<8192x128xf32, #tpu.memory_space<vmem_shared>>) dst(%dma_wait3A_900 : memref<64x128xf32, #tpu.memory_space<vmem>>)
      %mul3A_909 = arith.constant 64 : i32
      %mul3A_910 = arith.muli %add3A_808, %mul3A_909 : i32
      %dma_start3A_911 = arith.constant 2 : i32
      %dma_start3A_912 = arith.constant 2 : i32
      %dma_start3A_913 = arith.constant 0 : i32
      %dma_start3A_914 = arith.constant 0 : i32
      %dma_start3A_915 = tpu.memref_slice %arg6[%dma_start3A_911, %dma_start3A_913, %dma_start3A_914] : memref<4x64x128xf32, #tpu.memory_space<vmem>> -> memref<1x64x128xf32, #tpu.memory_space<vmem>>
      %dma_start3A_916 = tpu.memref_squeeze %dma_start3A_915 : memref<1x64x128xf32, #tpu.memory_space<vmem>> -> memref<64x128xf32, #tpu.memory_space<vmem>>
      %dma_start3A_917 = arith.constant 0 : i32
      %dma_start3A_918 = tpu.memref_slice %arg4[%add3A, %mul3A_910, %dma_start3A_917] : memref<32x25600x128xf32, #tpu.memory_space<hbm>> -> memref<1x64x128xf32, #tpu.memory_space<hbm>>
      %dma_start3A_919 = tpu.memref_squeeze %dma_start3A_918 : memref<1x64x128xf32, #tpu.memory_space<hbm>> -> memref<64x128xf32, #tpu.memory_space<hbm>>
      %dma_start3A_920 = tpu.memref_slice %arg9[%dma_start3A_912] : memref<4x!tpu.dma_semaphore, #tpu.memory_space<semaphore_mem>> -> memref<1x!tpu.dma_semaphore, #tpu.memory_space<semaphore_mem>>
      %dma_start3A_921 = tpu.memref_squeeze %dma_start3A_920 : memref<1x!tpu.dma_semaphore, #tpu.memory_space<semaphore_mem>> -> memref<!tpu.dma_semaphore, #tpu.memory_space<semaphore_mem>>
      %dma_start3A_922 = arith.constant 0 : i32
      %dma_start3A_923 = tpu.memref_slice %arg4[%add3A, %mul3A_910, %dma_start3A_922] : memref<32x25600x128xf32, #tpu.memory_space<hbm>> -> memref<1x64x128xf32, #tpu.memory_space<hbm>>
      %dma_start3A_924 = tpu.memref_squeeze %dma_start3A_923 : memref<1x64x128xf32, #tpu.memory_space<hbm>> -> memref<64x128xf32, #tpu.memory_space<hbm>>
      %dma_start3A_925 = arith.constant 0 : i32
      %dma_start3A_926 = arith.constant 0 : i32
      %dma_start3A_927 = tpu.memref_slice %arg6[%dma_start3A_911, %dma_start3A_925, %dma_start3A_926] : memref<4x64x128xf32, #tpu.memory_space<vmem>> -> memref<1x64x128xf32, #tpu.memory_space<vmem>>
      %dma_start3A_928 = tpu.memref_squeeze %dma_start3A_927 : memref<1x64x128xf32, #tpu.memory_space<vmem>> -> memref<64x128xf32, #tpu.memory_space<vmem>>
      tpu.enqueue_dma source(%dma_start3A_928 : memref<64x128xf32, #tpu.memory_space<vmem>>) target(%dma_start3A_924 : memref<64x128xf32, #tpu.memory_space<hbm>>) target_semaphore(%dma_start3A_921 : memref<!tpu.dma_semaphore, #tpu.memory_space<semaphore_mem>>)
      %add3A_929 = arith.constant 3 : i32
      %add3A_930 = arith.addi %mul3A_570, %add3A_929 : i32
      %dma_wait3A_931 = arith.constant 2 : i32
      %dma_wait3A_932 = arith.constant 2 : i32
      %dma_wait3A_933 = arith.constant 0 : i32
      %dma_wait3A_934 = arith.constant 0 : i32
      %dma_wait3A_935 = tpu.memref_slice %arg6[%dma_wait3A_931, %dma_wait3A_933, %dma_wait3A_934] : memref<4x64x128xf32, #tpu.memory_space<vmem>> -> memref<1x64x128xf32, #tpu.memory_space<vmem>>
      %dma_wait3A_936 = tpu.memref_squeeze %dma_wait3A_935 : memref<1x64x128xf32, #tpu.memory_space<vmem>> -> memref<64x128xf32, #tpu.memory_space<vmem>>
      %dma_wait3A_937 = arith.constant 0 : i32
      %dma_wait3A_938 = arith.constant 0 : i32
      %dma_wait3A_939 = tpu.memref_slice %arg4[%add3A, %dma_wait3A_937, %dma_wait3A_938] : memref<32x25600x128xf32, #tpu.memory_space<hbm>> -> memref<1x64x128xf32, #tpu.memory_space<hbm>>
      %dma_wait3A_940 = tpu.memref_squeeze %dma_wait3A_939 : memref<1x64x128xf32, #tpu.memory_space<hbm>> -> memref<64x128xf32, #tpu.memory_space<hbm>>
      %dma_wait3A_941 = tpu.memref_slice %arg9[%dma_wait3A_932] : memref<4x!tpu.dma_semaphore, #tpu.memory_space<semaphore_mem>> -> memref<1x!tpu.dma_semaphore, #tpu.memory_space<semaphore_mem>>
      %dma_wait3A_942 = tpu.memref_squeeze %dma_wait3A_941 : memref<1x!tpu.dma_semaphore, #tpu.memory_space<semaphore_mem>> -> memref<!tpu.dma_semaphore, #tpu.memory_space<semaphore_mem>>
      %dma_wait3A_943 = arith.constant 0 : i32
      %dma_wait3A_944 = arith.constant 0 : i32
      %dma_wait3A_945 = tpu.memref_slice %arg4[%add3A, %dma_wait3A_943, %dma_wait3A_944] : memref<32x25600x128xf32, #tpu.memory_space<hbm>> -> memref<1x64x128xf32, #tpu.memory_space<hbm>>
      %dma_wait3A_946 = tpu.memref_squeeze %dma_wait3A_945 : memref<1x64x128xf32, #tpu.memory_space<hbm>> -> memref<64x128xf32, #tpu.memory_space<hbm>>
      %dma_wait3A_947 = arith.constant 0 : i32
      %dma_wait3A_948 = arith.constant 0 : i32
      %dma_wait3A_949 = tpu.memref_slice %arg6[%dma_wait3A_931, %dma_wait3A_947, %dma_wait3A_948] : memref<4x64x128xf32, #tpu.memory_space<vmem>> -> memref<1x64x128xf32, #tpu.memory_space<vmem>>
      %dma_wait3A_950 = tpu.memref_squeeze %dma_wait3A_949 : memref<1x64x128xf32, #tpu.memory_space<vmem>> -> memref<64x128xf32, #tpu.memory_space<vmem>>
      tpu.wait_dma2 semaphore(%dma_wait3A_942 : memref<!tpu.dma_semaphore, #tpu.memory_space<semaphore_mem>>) src(%dma_wait3A_950 : memref<64x128xf32, #tpu.memory_space<vmem>>) dst(%dma_wait3A_946 : memref<64x128xf32, #tpu.memory_space<hbm>>)
      %add3A_951 = arith.constant 4 : i32
      %add3A_952 = arith.addi %add3A_930, %add3A_951 : i32
      %sub3A_953 = arith.constant 1 : i32
      %sub3A_954 = arith.subi %add3A_952, %sub3A_953 : i32
      %jit3A_955 = arith.constant 2 : i32
      %div3A_956 = arith.divsi %sub3A_954, %jit3A_955 : i32
      %sign3A_957 = arith.constant 0 : i32
      %sign3A_958 = arith.cmpi sgt, %sub3A_954, %sign3A_957 : i32
      %sign3A_959 = arith.extui %sign3A_958 : i1 to i32
      %sign3A_960 = arith.constant 0 : i32
      %sign3A_961 = arith.cmpi slt, %sub3A_954, %sign3A_960 : i32
      %sign3A_962 = arith.extui %sign3A_961 : i1 to i32
      %sign3A_963 = arith.subi %sign3A_959, %sign3A_962 : i32
      %sign3A_964 = arith.constant 0 : i32
      %sign3A_965 = arith.cmpi sgt, %jit3A_955, %sign3A_964 : i32
      %sign3A_966 = arith.extui %sign3A_965 : i1 to i32
      %sign3A_967 = arith.constant 0 : i32
      %sign3A_968 = arith.cmpi slt, %jit3A_955, %sign3A_967 : i32
      %sign3A_969 = arith.extui %sign3A_968 : i1 to i32
      %sign3A_970 = arith.subi %sign3A_966, %sign3A_969 : i32
      %ne3A_971 = arith.cmpi ne, %sign3A_963, %sign3A_970 : i32
      %rem3A_972 = arith.remsi %sub3A_954, %jit3A_955 : i32
      %ne3A_973 = arith.constant 0 : i32
      %ne3A_974 = arith.cmpi ne, %rem3A_972, %ne3A_973 : i32
      %and3A_975 = arith.andi %ne3A_971, %ne3A_974 : i1
      %sub3A_976 = arith.constant 1 : i32
      %sub3A_977 = arith.subi %div3A_956, %sub3A_976 : i32
      %select_n3A_978 = arith.select %and3A_975, %sub3A_977, %div3A_956 : i32
      %dma_start3A_979 = arith.constant 2 : i32
      %dma_start3A_980 = arith.constant 2 : i32
      %dma_start3A_981 = arith.constant 0 : i32
      %dma_start3A_982 = arith.constant 0 : i32
      %dma_start3A_983 = tpu.memref_slice %arg6[%dma_start3A_979, %dma_start3A_981, %dma_start3A_982] : memref<4x64x128xf32, #tpu.memory_space<vmem>> -> memref<1x64x128xf32, #tpu.memory_space<vmem>>
      %dma_start3A_984 = tpu.memref_squeeze %dma_start3A_983 : memref<1x64x128xf32, #tpu.memory_space<vmem>> -> memref<64x128xf32, #tpu.memory_space<vmem>>
      %dma_start3A_985 = arith.constant 0 : i32
      %dma_start3A_986 = tpu.memref_slice %arg5[%select_n3A_978, %dma_start3A_985] : memref<200x128xi32, #tpu.memory_space<vmem>> -> memref<1x64xi32, #tpu.memory_space<vmem>>
      %dma_start3A_987 = tpu.memref_squeeze %dma_start3A_986 : memref<1x64xi32, #tpu.memory_space<vmem>> -> memref<64xi32, #tpu.memory_space<vmem>>
      %dma_start3A_988 = arith.constant 0 : i32
      %dma_start3A_989 = arith.constant 0 : i32
      %dma_start3A_990 = tpu.memref_slice %arg7[%dma_start3A_988, %dma_start3A_989] : memref<8192x128xf32, #tpu.memory_space<vmem_shared>> -> memref<8192x128xf32, #tpu.memory_space<vmem_shared>>
      %dma_start3A_991 = tpu.memref_slice %arg8[%dma_start3A_980] : memref<4x!tpu.dma_semaphore, #tpu.memory_space<semaphore_mem>> -> memref<1x!tpu.dma_semaphore, #tpu.memory_space<semaphore_mem>>
      %dma_start3A_992 = tpu.memref_squeeze %dma_start3A_991 : memref<1x!tpu.dma_semaphore, #tpu.memory_space<semaphore_mem>> -> memref<!tpu.dma_semaphore, #tpu.memory_space<semaphore_mem>>
      tpu.enqueue_indirect_dma source(%dma_start3A_990 : memref<8192x128xf32, #tpu.memory_space<vmem_shared>>) target(%dma_start3A_984 : memref<64x128xf32, #tpu.memory_space<vmem>>) offsets(%dma_start3A_987 : memref<64xi32, #tpu.memory_space<vmem>>) semaphore(%dma_start3A_992 : memref<!tpu.dma_semaphore, #tpu.memory_space<semaphore_mem>>)
      %jit3A_993 = arith.constant 2 : i32
      %div3A_994 = arith.divsi %add3A_930, %jit3A_993 : i32
      %sign3A_995 = arith.constant 0 : i32
      %sign3A_996 = arith.cmpi sgt, %add3A_930, %sign3A_995 : i32
      %sign3A_997 = arith.extui %sign3A_996 : i1 to i32
      %sign3A_998 = arith.constant 0 : i32
      %sign3A_999 = arith.cmpi slt, %add3A_930, %sign3A_998 : i32
      %sign3A_1000 = arith.extui %sign3A_999 : i1 to i32
      %sign3A_1001 = arith.subi %sign3A_997, %sign3A_1000 : i32
      %sign3A_1002 = arith.constant 0 : i32
      %sign3A_1003 = arith.cmpi sgt, %jit3A_993, %sign3A_1002 : i32
      %sign3A_1004 = arith.extui %sign3A_1003 : i1 to i32
      %sign3A_1005 = arith.constant 0 : i32
      %sign3A_1006 = arith.cmpi slt, %jit3A_993, %sign3A_1005 : i32
      %sign3A_1007 = arith.extui %sign3A_1006 : i1 to i32
      %sign3A_1008 = arith.subi %sign3A_1004, %sign3A_1007 : i32
      %ne3A_1009 = arith.cmpi ne, %sign3A_1001, %sign3A_1008 : i32
      %rem3A_1010 = arith.remsi %add3A_930, %jit3A_993 : i32
      %ne3A_1011 = arith.constant 0 : i32
      %ne3A_1012 = arith.cmpi ne, %rem3A_1010, %ne3A_1011 : i32
      %and3A_1013 = arith.andi %ne3A_1009, %ne3A_1012 : i1
      %sub3A_1014 = arith.constant 1 : i32
      %sub3A_1015 = arith.subi %div3A_994, %sub3A_1014 : i32
      %select_n3A_1016 = arith.select %and3A_1013, %sub3A_1015, %div3A_994 : i32
      %dma_wait3A_1017 = arith.constant 3 : i32
      %dma_wait3A_1018 = arith.constant 3 : i32
      %dma_wait3A_1019 = arith.constant 0 : i32
      %dma_wait3A_1020 = arith.constant 0 : i32
      %dma_wait3A_1021 = tpu.memref_slice %arg6[%dma_wait3A_1017, %dma_wait3A_1019, %dma_wait3A_1020] : memref<4x64x128xf32, #tpu.memory_space<vmem>> -> memref<1x64x128xf32, #tpu.memory_space<vmem>>
      %dma_wait3A_1022 = tpu.memref_squeeze %dma_wait3A_1021 : memref<1x64x128xf32, #tpu.memory_space<vmem>> -> memref<64x128xf32, #tpu.memory_space<vmem>>
      %dma_wait3A_1023 = arith.constant 64 : i32
      %dma_wait3A_1024 = tpu.memref_slice %arg5[%select_n3A_1016, %dma_wait3A_1023] : memref<200x128xi32, #tpu.memory_space<vmem>> -> memref<1x64xi32, #tpu.memory_space<vmem>>
      %dma_wait3A_1025 = tpu.memref_squeeze %dma_wait3A_1024 : memref<1x64xi32, #tpu.memory_space<vmem>> -> memref<64xi32, #tpu.memory_space<vmem>>
      %dma_wait3A_1026 = arith.constant 0 : i32
      %dma_wait3A_1027 = arith.constant 0 : i32
      %dma_wait3A_1028 = tpu.memref_slice %arg7[%dma_wait3A_1026, %dma_wait3A_1027] : memref<8192x128xf32, #tpu.memory_space<vmem_shared>> -> memref<8192x128xf32, #tpu.memory_space<vmem_shared>>
      %dma_wait3A_1029 = tpu.memref_slice %arg8[%dma_wait3A_1018] : memref<4x!tpu.dma_semaphore, #tpu.memory_space<semaphore_mem>> -> memref<1x!tpu.dma_semaphore, #tpu.memory_space<semaphore_mem>>
      %dma_wait3A_1030 = tpu.memref_squeeze %dma_wait3A_1029 : memref<1x!tpu.dma_semaphore, #tpu.memory_space<semaphore_mem>> -> memref<!tpu.dma_semaphore, #tpu.memory_space<semaphore_mem>>
      tpu.wait_indirect_dma semaphore(%dma_wait3A_1030 : memref<!tpu.dma_semaphore, #tpu.memory_space<semaphore_mem>>) src(%dma_wait3A_1028 : memref<8192x128xf32, #tpu.memory_space<vmem_shared>>) dst(%dma_wait3A_1022 : memref<64x128xf32, #tpu.memory_space<vmem>>)
      %mul3A_1031 = arith.constant 64 : i32
      %mul3A_1032 = arith.muli %add3A_930, %mul3A_1031 : i32
      %dma_start3A_1033 = arith.constant 3 : i32
      %dma_start3A_1034 = arith.constant 3 : i32
      %dma_start3A_1035 = arith.constant 0 : i32
      %dma_start3A_1036 = arith.constant 0 : i32
      %dma_start3A_1037 = tpu.memref_slice %arg6[%dma_start3A_1033, %dma_start3A_1035, %dma_start3A_1036] : memref<4x64x128xf32, #tpu.memory_space<vmem>> -> memref<1x64x128xf32, #tpu.memory_space<vmem>>
      %dma_start3A_1038 = tpu.memref_squeeze %dma_start3A_1037 : memref<1x64x128xf32, #tpu.memory_space<vmem>> -> memref<64x128xf32, #tpu.memory_space<vmem>>
      %dma_start3A_1039 = arith.constant 0 : i32
      %dma_start3A_1040 = tpu.memref_slice %arg4[%add3A, %mul3A_1032, %dma_start3A_1039] : memref<32x25600x128xf32, #tpu.memory_space<hbm>> -> memref<1x64x128xf32, #tpu.memory_space<hbm>>
      %dma_start3A_1041 = tpu.memref_squeeze %dma_start3A_1040 : memref<1x64x128xf32, #tpu.memory_space<hbm>> -> memref<64x128xf32, #tpu.memory_space<hbm>>
      %dma_start3A_1042 = tpu.memref_slice %arg9[%dma_start3A_1034] : memref<4x!tpu.dma_semaphore, #tpu.memory_space<semaphore_mem>> -> memref<1x!tpu.dma_semaphore, #tpu.memory_space<semaphore_mem>>
      %dma_start3A_1043 = tpu.memref_squeeze %dma_start3A_1042 : memref<1x!tpu.dma_semaphore, #tpu.memory_space<semaphore_mem>> -> memref<!tpu.dma_semaphore, #tpu.memory_space<semaphore_mem>>
      %dma_start3A_1044 = arith.constant 0 : i32
      %dma_start3A_1045 = tpu.memref_slice %arg4[%add3A, %mul3A_1032, %dma_start3A_1044] : memref<32x25600x128xf32, #tpu.memory_space<hbm>> -> memref<1x64x128xf32, #tpu.memory_space<hbm>>
      %dma_start3A_1046 = tpu.memref_squeeze %dma_start3A_1045 : memref<1x64x128xf32, #tpu.memory_space<hbm>> -> memref<64x128xf32, #tpu.memory_space<hbm>>
      %dma_start3A_1047 = arith.constant 0 : i32
      %dma_start3A_1048 = arith.constant 0 : i32
      %dma_start3A_1049 = tpu.memref_slice %arg6[%dma_start3A_1033, %dma_start3A_1047, %dma_start3A_1048] : memref<4x64x128xf32, #tpu.memory_space<vmem>> -> memref<1x64x128xf32, #tpu.memory_space<vmem>>
      %dma_start3A_1050 = tpu.memref_squeeze %dma_start3A_1049 : memref<1x64x128xf32, #tpu.memory_space<vmem>> -> memref<64x128xf32, #tpu.memory_space<vmem>>
      tpu.enqueue_dma source(%dma_start3A_1050 : memref<64x128xf32, #tpu.memory_space<vmem>>) target(%dma_start3A_1046 : memref<64x128xf32, #tpu.memory_space<hbm>>) target_semaphore(%dma_start3A_1043 : memref<!tpu.dma_semaphore, #tpu.memory_space<semaphore_mem>>)
    }
    %scan3A_312 = arith.constant 98 : i32
    %dma_wait3A_313 = arith.constant 3 : i32
    %dma_wait3A_314 = arith.constant 3 : i32
    %dma_wait3A_315 = arith.constant 0 : i32
    %dma_wait3A_316 = arith.constant 0 : i32
    %dma_wait3A_317 = tpu.memref_slice %arg6[%dma_wait3A_313, %dma_wait3A_315, %dma_wait3A_316] : memref<4x64x128xf32, #tpu.memory_space<vmem>> -> memref<1x64x128xf32, #tpu.memory_space<vmem>>
    %dma_wait3A_318 = tpu.memref_squeeze %dma_wait3A_317 : memref<1x64x128xf32, #tpu.memory_space<vmem>> -> memref<64x128xf32, #tpu.memory_space<vmem>>
    %dma_wait3A_319 = arith.constant 0 : i32
    %dma_wait3A_320 = arith.constant 0 : i32
    %dma_wait3A_321 = tpu.memref_slice %arg4[%add3A, %dma_wait3A_319, %dma_wait3A_320] : memref<32x25600x128xf32, #tpu.memory_space<hbm>> -> memref<1x64x128xf32, #tpu.memory_space<hbm>>
    %dma_wait3A_322 = tpu.memref_squeeze %dma_wait3A_321 : memref<1x64x128xf32, #tpu.memory_space<hbm>> -> memref<64x128xf32, #tpu.memory_space<hbm>>
    %dma_wait3A_323 = tpu.memref_slice %arg9[%dma_wait3A_314] : memref<4x!tpu.dma_semaphore, #tpu.memory_space<semaphore_mem>> -> memref<1x!tpu.dma_semaphore, #tpu.memory_space<semaphore_mem>>
    %dma_wait3A_324 = tpu.memref_squeeze %dma_wait3A_323 : memref<1x!tpu.dma_semaphore, #tpu.memory_space<semaphore_mem>> -> memref<!tpu.dma_semaphore, #tpu.memory_space<semaphore_mem>>
    %dma_wait3A_325 = arith.constant 0 : i32
    %dma_wait3A_326 = arith.constant 0 : i32
    %dma_wait3A_327 = tpu.memref_slice %arg4[%add3A, %dma_wait3A_325, %dma_wait3A_326] : memref<32x25600x128xf32, #tpu.memory_space<hbm>> -> memref<1x64x128xf32, #tpu.memory_space<hbm>>
    %dma_wait3A_328 = tpu.memref_squeeze %dma_wait3A_327 : memref<1x64x128xf32, #tpu.memory_space<hbm>> -> memref<64x128xf32, #tpu.memory_space<hbm>>
    %dma_wait3A_329 = arith.constant 0 : i32
    %dma_wait3A_330 = arith.constant 0 : i32
    %dma_wait3A_331 = tpu.memref_slice %arg6[%dma_wait3A_313, %dma_wait3A_329, %dma_wait3A_330] : memref<4x64x128xf32, #tpu.memory_space<vmem>> -> memref<1x64x128xf32, #tpu.memory_space<vmem>>
    %dma_wait3A_332 = tpu.memref_squeeze %dma_wait3A_331 : memref<1x64x128xf32, #tpu.memory_space<vmem>> -> memref<64x128xf32, #tpu.memory_space<vmem>>
    tpu.wait_dma2 semaphore(%dma_wait3A_324 : memref<!tpu.dma_semaphore, #tpu.memory_space<semaphore_mem>>) src(%dma_wait3A_332 : memref<64x128xf32, #tpu.memory_space<vmem>>) dst(%dma_wait3A_328 : memref<64x128xf32, #tpu.memory_space<hbm>>)
    %dma_start3A_333 = arith.constant 199 : i32
    %dma_start3A_334 = arith.constant 3 : i32
    %dma_start3A_335 = arith.constant 3 : i32
    %dma_start3A_336 = arith.constant 0 : i32
    %dma_start3A_337 = arith.constant 0 : i32
    %dma_start3A_338 = tpu.memref_slice %arg6[%dma_start3A_334, %dma_start3A_336, %dma_start3A_337] : memref<4x64x128xf32, #tpu.memory_space<vmem>> -> memref<1x64x128xf32, #tpu.memory_space<vmem>>
    %dma_start3A_339 = tpu.memref_squeeze %dma_start3A_338 : memref<1x64x128xf32, #tpu.memory_space<vmem>> -> memref<64x128xf32, #tpu.memory_space<vmem>>
    %dma_start3A_340 = arith.constant 64 : i32
    %dma_start3A_341 = tpu.memref_slice %arg5[%dma_start3A_333, %dma_start3A_340] : memref<200x128xi32, #tpu.memory_space<vmem>> -> memref<1x64xi32, #tpu.memory_space<vmem>>
    %dma_start3A_342 = tpu.memref_squeeze %dma_start3A_341 : memref<1x64xi32, #tpu.memory_space<vmem>> -> memref<64xi32, #tpu.memory_space<vmem>>
    %dma_start3A_343 = arith.constant 0 : i32
    %dma_start3A_344 = arith.constant 0 : i32
    %dma_start3A_345 = tpu.memref_slice %arg7[%dma_start3A_343, %dma_start3A_344] : memref<8192x128xf32, #tpu.memory_space<vmem_shared>> -> memref<8192x128xf32, #tpu.memory_space<vmem_shared>>
    %dma_start3A_346 = tpu.memref_slice %arg8[%dma_start3A_335] : memref<4x!tpu.dma_semaphore, #tpu.memory_space<semaphore_mem>> -> memref<1x!tpu.dma_semaphore, #tpu.memory_space<semaphore_mem>>
    %dma_start3A_347 = tpu.memref_squeeze %dma_start3A_346 : memref<1x!tpu.dma_semaphore, #tpu.memory_space<semaphore_mem>> -> memref<!tpu.dma_semaphore, #tpu.memory_space<semaphore_mem>>
    tpu.enqueue_indirect_dma source(%dma_start3A_345 : memref<8192x128xf32, #tpu.memory_space<vmem_shared>>) target(%dma_start3A_339 : memref<64x128xf32, #tpu.memory_space<vmem>>) offsets(%dma_start3A_342 : memref<64xi32, #tpu.memory_space<vmem>>) semaphore(%dma_start3A_347 : memref<!tpu.dma_semaphore, #tpu.memory_space<semaphore_mem>>)
    %dma_wait3A_348 = arith.constant 198 : i32
    %dma_wait3A_349 = arith.constant 0 : i32
    %dma_wait3A_350 = arith.constant 0 : i32
    %dma_wait3A_351 = arith.constant 0 : i32
    %dma_wait3A_352 = arith.constant 0 : i32
    %dma_wait3A_353 = tpu.memref_slice %arg6[%dma_wait3A_349, %dma_wait3A_351, %dma_wait3A_352] : memref<4x64x128xf32, #tpu.memory_space<vmem>> -> memref<1x64x128xf32, #tpu.memory_space<vmem>>
    %dma_wait3A_354 = tpu.memref_squeeze %dma_wait3A_353 : memref<1x64x128xf32, #tpu.memory_space<vmem>> -> memref<64x128xf32, #tpu.memory_space<vmem>>
    %dma_wait3A_355 = arith.constant 0 : i32
    %dma_wait3A_356 = tpu.memref_slice %arg5[%dma_wait3A_348, %dma_wait3A_355] : memref<200x128xi32, #tpu.memory_space<vmem>> -> memref<1x64xi32, #tpu.memory_space<vmem>>
    %dma_wait3A_357 = tpu.memref_squeeze %dma_wait3A_356 : memref<1x64xi32, #tpu.memory_space<vmem>> -> memref<64xi32, #tpu.memory_space<vmem>>
    %dma_wait3A_358 = arith.constant 0 : i32
    %dma_wait3A_359 = arith.constant 0 : i32
    %dma_wait3A_360 = tpu.memref_slice %arg7[%dma_wait3A_358, %dma_wait3A_359] : memref<8192x128xf32, #tpu.memory_space<vmem_shared>> -> memref<8192x128xf32, #tpu.memory_space<vmem_shared>>
    %dma_wait3A_361 = tpu.memref_slice %arg8[%dma_wait3A_350] : memref<4x!tpu.dma_semaphore, #tpu.memory_space<semaphore_mem>> -> memref<1x!tpu.dma_semaphore, #tpu.memory_space<semaphore_mem>>
    %dma_wait3A_362 = tpu.memref_squeeze %dma_wait3A_361 : memref<1x!tpu.dma_semaphore, #tpu.memory_space<semaphore_mem>> -> memref<!tpu.dma_semaphore, #tpu.memory_space<semaphore_mem>>
    tpu.wait_indirect_dma semaphore(%dma_wait3A_362 : memref<!tpu.dma_semaphore, #tpu.memory_space<semaphore_mem>>) src(%dma_wait3A_360 : memref<8192x128xf32, #tpu.memory_space<vmem_shared>>) dst(%dma_wait3A_354 : memref<64x128xf32, #tpu.memory_space<vmem>>)
    %dma_start3A_363 = arith.constant 0 : i32
    %dma_start3A_364 = arith.constant 0 : i32
    %dma_start3A_365 = arith.constant 0 : i32
    %dma_start3A_366 = arith.constant 0 : i32
    %dma_start3A_367 = tpu.memref_slice %arg6[%dma_start3A_363, %dma_start3A_365, %dma_start3A_366] : memref<4x64x128xf32, #tpu.memory_space<vmem>> -> memref<1x64x128xf32, #tpu.memory_space<vmem>>
    %dma_start3A_368 = tpu.memref_squeeze %dma_start3A_367 : memref<1x64x128xf32, #tpu.memory_space<vmem>> -> memref<64x128xf32, #tpu.memory_space<vmem>>
    %dma_start3A_369 = arith.constant 25344 : i32
    %dma_start3A_370 = arith.constant 0 : i32
    %dma_start3A_371 = tpu.memref_slice %arg4[%add3A, %dma_start3A_369, %dma_start3A_370] : memref<32x25600x128xf32, #tpu.memory_space<hbm>> -> memref<1x64x128xf32, #tpu.memory_space<hbm>>
    %dma_start3A_372 = tpu.memref_squeeze %dma_start3A_371 : memref<1x64x128xf32, #tpu.memory_space<hbm>> -> memref<64x128xf32, #tpu.memory_space<hbm>>
    %dma_start3A_373 = tpu.memref_slice %arg9[%dma_start3A_364] : memref<4x!tpu.dma_semaphore, #tpu.memory_space<semaphore_mem>> -> memref<1x!tpu.dma_semaphore, #tpu.memory_space<semaphore_mem>>
    %dma_start3A_374 = tpu.memref_squeeze %dma_start3A_373 : memref<1x!tpu.dma_semaphore, #tpu.memory_space<semaphore_mem>> -> memref<!tpu.dma_semaphore, #tpu.memory_space<semaphore_mem>>
    %dma_start3A_375 = arith.constant 25344 : i32
    %dma_start3A_376 = arith.constant 0 : i32
    %dma_start3A_377 = tpu.memref_slice %arg4[%add3A, %dma_start3A_375, %dma_start3A_376] : memref<32x25600x128xf32, #tpu.memory_space<hbm>> -> memref<1x64x128xf32, #tpu.memory_space<hbm>>
    %dma_start3A_378 = tpu.memref_squeeze %dma_start3A_377 : memref<1x64x128xf32, #tpu.memory_space<hbm>> -> memref<64x128xf32, #tpu.memory_space<hbm>>
    %dma_start3A_379 = arith.constant 0 : i32
    %dma_start3A_380 = arith.constant 0 : i32
    %dma_start3A_381 = tpu.memref_slice %arg6[%dma_start3A_363, %dma_start3A_379, %dma_start3A_380] : memref<4x64x128xf32, #tpu.memory_space<vmem>> -> memref<1x64x128xf32, #tpu.memory_space<vmem>>
    %dma_start3A_382 = tpu.memref_squeeze %dma_start3A_381 : memref<1x64x128xf32, #tpu.memory_space<vmem>> -> memref<64x128xf32, #tpu.memory_space<vmem>>
    tpu.enqueue_dma source(%dma_start3A_382 : memref<64x128xf32, #tpu.memory_space<vmem>>) target(%dma_start3A_378 : memref<64x128xf32, #tpu.memory_space<hbm>>) target_semaphore(%dma_start3A_374 : memref<!tpu.dma_semaphore, #tpu.memory_space<semaphore_mem>>)
    %dma_wait3A_383 = arith.constant 198 : i32
    %dma_wait3A_384 = arith.constant 1 : i32
    %dma_wait3A_385 = arith.constant 1 : i32
    %dma_wait3A_386 = arith.constant 0 : i32
    %dma_wait3A_387 = arith.constant 0 : i32
    %dma_wait3A_388 = tpu.memref_slice %arg6[%dma_wait3A_384, %dma_wait3A_386, %dma_wait3A_387] : memref<4x64x128xf32, #tpu.memory_space<vmem>> -> memref<1x64x128xf32, #tpu.memory_space<vmem>>
    %dma_wait3A_389 = tpu.memref_squeeze %dma_wait3A_388 : memref<1x64x128xf32, #tpu.memory_space<vmem>> -> memref<64x128xf32, #tpu.memory_space<vmem>>
    %dma_wait3A_390 = arith.constant 64 : i32
    %dma_wait3A_391 = tpu.memref_slice %arg5[%dma_wait3A_383, %dma_wait3A_390] : memref<200x128xi32, #tpu.memory_space<vmem>> -> memref<1x64xi32, #tpu.memory_space<vmem>>
    %dma_wait3A_392 = tpu.memref_squeeze %dma_wait3A_391 : memref<1x64xi32, #tpu.memory_space<vmem>> -> memref<64xi32, #tpu.memory_space<vmem>>
    %dma_wait3A_393 = arith.constant 0 : i32
    %dma_wait3A_394 = arith.constant 0 : i32
    %dma_wait3A_395 = tpu.memref_slice %arg7[%dma_wait3A_393, %dma_wait3A_394] : memref<8192x128xf32, #tpu.memory_space<vmem_shared>> -> memref<8192x128xf32, #tpu.memory_space<vmem_shared>>
    %dma_wait3A_396 = tpu.memref_slice %arg8[%dma_wait3A_385] : memref<4x!tpu.dma_semaphore, #tpu.memory_space<semaphore_mem>> -> memref<1x!tpu.dma_semaphore, #tpu.memory_space<semaphore_mem>>
    %dma_wait3A_397 = tpu.memref_squeeze %dma_wait3A_396 : memref<1x!tpu.dma_semaphore, #tpu.memory_space<semaphore_mem>> -> memref<!tpu.dma_semaphore, #tpu.memory_space<semaphore_mem>>
    tpu.wait_indirect_dma semaphore(%dma_wait3A_397 : memref<!tpu.dma_semaphore, #tpu.memory_space<semaphore_mem>>) src(%dma_wait3A_395 : memref<8192x128xf32, #tpu.memory_space<vmem_shared>>) dst(%dma_wait3A_389 : memref<64x128xf32, #tpu.memory_space<vmem>>)
    %dma_start3A_398 = arith.constant 1 : i32
    %dma_start3A_399 = arith.constant 1 : i32
    %dma_start3A_400 = arith.constant 0 : i32
    %dma_start3A_401 = arith.constant 0 : i32
    %dma_start3A_402 = tpu.memref_slice %arg6[%dma_start3A_398, %dma_start3A_400, %dma_start3A_401] : memref<4x64x128xf32, #tpu.memory_space<vmem>> -> memref<1x64x128xf32, #tpu.memory_space<vmem>>
    %dma_start3A_403 = tpu.memref_squeeze %dma_start3A_402 : memref<1x64x128xf32, #tpu.memory_space<vmem>> -> memref<64x128xf32, #tpu.memory_space<vmem>>
    %dma_start3A_404 = arith.constant 25408 : i32
    %dma_start3A_405 = arith.constant 0 : i32
    %dma_start3A_406 = tpu.memref_slice %arg4[%add3A, %dma_start3A_404, %dma_start3A_405] : memref<32x25600x128xf32, #tpu.memory_space<hbm>> -> memref<1x64x128xf32, #tpu.memory_space<hbm>>
    %dma_start3A_407 = tpu.memref_squeeze %dma_start3A_406 : memref<1x64x128xf32, #tpu.memory_space<hbm>> -> memref<64x128xf32, #tpu.memory_space<hbm>>
    %dma_start3A_408 = tpu.memref_slice %arg9[%dma_start3A_399] : memref<4x!tpu.dma_semaphore, #tpu.memory_space<semaphore_mem>> -> memref<1x!tpu.dma_semaphore, #tpu.memory_space<semaphore_mem>>
    %dma_start3A_409 = tpu.memref_squeeze %dma_start3A_408 : memref<1x!tpu.dma_semaphore, #tpu.memory_space<semaphore_mem>> -> memref<!tpu.dma_semaphore, #tpu.memory_space<semaphore_mem>>
    %dma_start3A_410 = arith.constant 25408 : i32
    %dma_start3A_411 = arith.constant 0 : i32
    %dma_start3A_412 = tpu.memref_slice %arg4[%add3A, %dma_start3A_410, %dma_start3A_411] : memref<32x25600x128xf32, #tpu.memory_space<hbm>> -> memref<1x64x128xf32, #tpu.memory_space<hbm>>
    %dma_start3A_413 = tpu.memref_squeeze %dma_start3A_412 : memref<1x64x128xf32, #tpu.memory_space<hbm>> -> memref<64x128xf32, #tpu.memory_space<hbm>>
    %dma_start3A_414 = arith.constant 0 : i32
    %dma_start3A_415 = arith.constant 0 : i32
    %dma_start3A_416 = tpu.memref_slice %arg6[%dma_start3A_398, %dma_start3A_414, %dma_start3A_415] : memref<4x64x128xf32, #tpu.memory_space<vmem>> -> memref<1x64x128xf32, #tpu.memory_space<vmem>>
    %dma_start3A_417 = tpu.memref_squeeze %dma_start3A_416 : memref<1x64x128xf32, #tpu.memory_space<vmem>> -> memref<64x128xf32, #tpu.memory_space<vmem>>
    tpu.enqueue_dma source(%dma_start3A_417 : memref<64x128xf32, #tpu.memory_space<vmem>>) target(%dma_start3A_413 : memref<64x128xf32, #tpu.memory_space<hbm>>) target_semaphore(%dma_start3A_409 : memref<!tpu.dma_semaphore, #tpu.memory_space<semaphore_mem>>)
    %dma_wait3A_418 = arith.constant 199 : i32
    %dma_wait3A_419 = arith.constant 2 : i32
    %dma_wait3A_420 = arith.constant 2 : i32
    %dma_wait3A_421 = arith.constant 0 : i32
    %dma_wait3A_422 = arith.constant 0 : i32
    %dma_wait3A_423 = tpu.memref_slice %arg6[%dma_wait3A_419, %dma_wait3A_421, %dma_wait3A_422] : memref<4x64x128xf32, #tpu.memory_space<vmem>> -> memref<1x64x128xf32, #tpu.memory_space<vmem>>
    %dma_wait3A_424 = tpu.memref_squeeze %dma_wait3A_423 : memref<1x64x128xf32, #tpu.memory_space<vmem>> -> memref<64x128xf32, #tpu.memory_space<vmem>>
    %dma_wait3A_425 = arith.constant 0 : i32
    %dma_wait3A_426 = tpu.memref_slice %arg5[%dma_wait3A_418, %dma_wait3A_425] : memref<200x128xi32, #tpu.memory_space<vmem>> -> memref<1x64xi32, #tpu.memory_space<vmem>>
    %dma_wait3A_427 = tpu.memref_squeeze %dma_wait3A_426 : memref<1x64xi32, #tpu.memory_space<vmem>> -> memref<64xi32, #tpu.memory_space<vmem>>
    %dma_wait3A_428 = arith.constant 0 : i32
    %dma_wait3A_429 = arith.constant 0 : i32
    %dma_wait3A_430 = tpu.memref_slice %arg7[%dma_wait3A_428, %dma_wait3A_429] : memref<8192x128xf32, #tpu.memory_space<vmem_shared>> -> memref<8192x128xf32, #tpu.memory_space<vmem_shared>>
    %dma_wait3A_431 = tpu.memref_slice %arg8[%dma_wait3A_420] : memref<4x!tpu.dma_semaphore, #tpu.memory_space<semaphore_mem>> -> memref<1x!tpu.dma_semaphore, #tpu.memory_space<semaphore_mem>>
    %dma_wait3A_432 = tpu.memref_squeeze %dma_wait3A_431 : memref<1x!tpu.dma_semaphore, #tpu.memory_space<semaphore_mem>> -> memref<!tpu.dma_semaphore, #tpu.memory_space<semaphore_mem>>
    tpu.wait_indirect_dma semaphore(%dma_wait3A_432 : memref<!tpu.dma_semaphore, #tpu.memory_space<semaphore_mem>>) src(%dma_wait3A_430 : memref<8192x128xf32, #tpu.memory_space<vmem_shared>>) dst(%dma_wait3A_424 : memref<64x128xf32, #tpu.memory_space<vmem>>)
    %dma_start3A_433 = arith.constant 2 : i32
    %dma_start3A_434 = arith.constant 2 : i32
    %dma_start3A_435 = arith.constant 0 : i32
    %dma_start3A_436 = arith.constant 0 : i32
    %dma_start3A_437 = tpu.memref_slice %arg6[%dma_start3A_433, %dma_start3A_435, %dma_start3A_436] : memref<4x64x128xf32, #tpu.memory_space<vmem>> -> memref<1x64x128xf32, #tpu.memory_space<vmem>>
    %dma_start3A_438 = tpu.memref_squeeze %dma_start3A_437 : memref<1x64x128xf32, #tpu.memory_space<vmem>> -> memref<64x128xf32, #tpu.memory_space<vmem>>
    %dma_start3A_439 = arith.constant 25472 : i32
    %dma_start3A_440 = arith.constant 0 : i32
    %dma_start3A_441 = tpu.memref_slice %arg4[%add3A, %dma_start3A_439, %dma_start3A_440] : memref<32x25600x128xf32, #tpu.memory_space<hbm>> -> memref<1x64x128xf32, #tpu.memory_space<hbm>>
    %dma_start3A_442 = tpu.memref_squeeze %dma_start3A_441 : memref<1x64x128xf32, #tpu.memory_space<hbm>> -> memref<64x128xf32, #tpu.memory_space<hbm>>
    %dma_start3A_443 = tpu.memref_slice %arg9[%dma_start3A_434] : memref<4x!tpu.dma_semaphore, #tpu.memory_space<semaphore_mem>> -> memref<1x!tpu.dma_semaphore, #tpu.memory_space<semaphore_mem>>
    %dma_start3A_444 = tpu.memref_squeeze %dma_start3A_443 : memref<1x!tpu.dma_semaphore, #tpu.memory_space<semaphore_mem>> -> memref<!tpu.dma_semaphore, #tpu.memory_space<semaphore_mem>>
    %dma_start3A_445 = arith.constant 25472 : i32
    %dma_start3A_446 = arith.constant 0 : i32
    %dma_start3A_447 = tpu.memref_slice %arg4[%add3A, %dma_start3A_445, %dma_start3A_446] : memref<32x25600x128xf32, #tpu.memory_space<hbm>> -> memref<1x64x128xf32, #tpu.memory_space<hbm>>
    %dma_start3A_448 = tpu.memref_squeeze %dma_start3A_447 : memref<1x64x128xf32, #tpu.memory_space<hbm>> -> memref<64x128xf32, #tpu.memory_space<hbm>>
    %dma_start3A_449 = arith.constant 0 : i32
    %dma_start3A_450 = arith.constant 0 : i32
    %dma_start3A_451 = tpu.memref_slice %arg6[%dma_start3A_433, %dma_start3A_449, %dma_start3A_450] : memref<4x64x128xf32, #tpu.memory_space<vmem>> -> memref<1x64x128xf32, #tpu.memory_space<vmem>>
    %dma_start3A_452 = tpu.memref_squeeze %dma_start3A_451 : memref<1x64x128xf32, #tpu.memory_space<vmem>> -> memref<64x128xf32, #tpu.memory_space<vmem>>
    tpu.enqueue_dma source(%dma_start3A_452 : memref<64x128xf32, #tpu.memory_space<vmem>>) target(%dma_start3A_448 : memref<64x128xf32, #tpu.memory_space<hbm>>) target_semaphore(%dma_start3A_444 : memref<!tpu.dma_semaphore, #tpu.memory_space<semaphore_mem>>)
    %dma_wait3A_453 = arith.constant 199 : i32
    %dma_wait3A_454 = arith.constant 3 : i32
    %dma_wait3A_455 = arith.constant 3 : i32
    %dma_wait3A_456 = arith.constant 0 : i32
    %dma_wait3A_457 = arith.constant 0 : i32
    %dma_wait3A_458 = tpu.memref_slice %arg6[%dma_wait3A_454, %dma_wait3A_456, %dma_wait3A_457] : memref<4x64x128xf32, #tpu.memory_space<vmem>> -> memref<1x64x128xf32, #tpu.memory_space<vmem>>
    %dma_wait3A_459 = tpu.memref_squeeze %dma_wait3A_458 : memref<1x64x128xf32, #tpu.memory_space<vmem>> -> memref<64x128xf32, #tpu.memory_space<vmem>>
    %dma_wait3A_460 = arith.constant 64 : i32
    %dma_wait3A_461 = tpu.memref_slice %arg5[%dma_wait3A_453, %dma_wait3A_460] : memref<200x128xi32, #tpu.memory_space<vmem>> -> memref<1x64xi32, #tpu.memory_space<vmem>>
    %dma_wait3A_462 = tpu.memref_squeeze %dma_wait3A_461 : memref<1x64xi32, #tpu.memory_space<vmem>> -> memref<64xi32, #tpu.memory_space<vmem>>
    %dma_wait3A_463 = arith.constant 0 : i32
    %dma_wait3A_464 = arith.constant 0 : i32
    %dma_wait3A_465 = tpu.memref_slice %arg7[%dma_wait3A_463, %dma_wait3A_464] : memref<8192x128xf32, #tpu.memory_space<vmem_shared>> -> memref<8192x128xf32, #tpu.memory_space<vmem_shared>>
    %dma_wait3A_466 = tpu.memref_slice %arg8[%dma_wait3A_455] : memref<4x!tpu.dma_semaphore, #tpu.memory_space<semaphore_mem>> -> memref<1x!tpu.dma_semaphore, #tpu.memory_space<semaphore_mem>>
    %dma_wait3A_467 = tpu.memref_squeeze %dma_wait3A_466 : memref<1x!tpu.dma_semaphore, #tpu.memory_space<semaphore_mem>> -> memref<!tpu.dma_semaphore, #tpu.memory_space<semaphore_mem>>
    tpu.wait_indirect_dma semaphore(%dma_wait3A_467 : memref<!tpu.dma_semaphore, #tpu.memory_space<semaphore_mem>>) src(%dma_wait3A_465 : memref<8192x128xf32, #tpu.memory_space<vmem_shared>>) dst(%dma_wait3A_459 : memref<64x128xf32, #tpu.memory_space<vmem>>)
    %dma_start3A_468 = arith.constant 3 : i32
    %dma_start3A_469 = arith.constant 3 : i32
    %dma_start3A_470 = arith.constant 0 : i32
    %dma_start3A_471 = arith.constant 0 : i32
    %dma_start3A_472 = tpu.memref_slice %arg6[%dma_start3A_468, %dma_start3A_470, %dma_start3A_471] : memref<4x64x128xf32, #tpu.memory_space<vmem>> -> memref<1x64x128xf32, #tpu.memory_space<vmem>>
    %dma_start3A_473 = tpu.memref_squeeze %dma_start3A_472 : memref<1x64x128xf32, #tpu.memory_space<vmem>> -> memref<64x128xf32, #tpu.memory_space<vmem>>
    %dma_start3A_474 = arith.constant 25536 : i32
    %dma_start3A_475 = arith.constant 0 : i32
    %dma_start3A_476 = tpu.memref_slice %arg4[%add3A, %dma_start3A_474, %dma_start3A_475] : memref<32x25600x128xf32, #tpu.memory_space<hbm>> -> memref<1x64x128xf32, #tpu.memory_space<hbm>>
    %dma_start3A_477 = tpu.memref_squeeze %dma_start3A_476 : memref<1x64x128xf32, #tpu.memory_space<hbm>> -> memref<64x128xf32, #tpu.memory_space<hbm>>
    %dma_start3A_478 = tpu.memref_slice %arg9[%dma_start3A_469] : memref<4x!tpu.dma_semaphore, #tpu.memory_space<semaphore_mem>> -> memref<1x!tpu.dma_semaphore, #tpu.memory_space<semaphore_mem>>
    %dma_start3A_479 = tpu.memref_squeeze %dma_start3A_478 : memref<1x!tpu.dma_semaphore, #tpu.memory_space<semaphore_mem>> -> memref<!tpu.dma_semaphore, #tpu.memory_space<semaphore_mem>>
    %dma_start3A_480 = arith.constant 25536 : i32
    %dma_start3A_481 = arith.constant 0 : i32
    %dma_start3A_482 = tpu.memref_slice %arg4[%add3A, %dma_start3A_480, %dma_start3A_481] : memref<32x25600x128xf32, #tpu.memory_space<hbm>> -> memref<1x64x128xf32, #tpu.memory_space<hbm>>
    %dma_start3A_483 = tpu.memref_squeeze %dma_start3A_482 : memref<1x64x128xf32, #tpu.memory_space<hbm>> -> memref<64x128xf32, #tpu.memory_space<hbm>>
    %dma_start3A_484 = arith.constant 0 : i32
    %dma_start3A_485 = arith.constant 0 : i32
    %dma_start3A_486 = tpu.memref_slice %arg6[%dma_start3A_468, %dma_start3A_484, %dma_start3A_485] : memref<4x64x128xf32, #tpu.memory_space<vmem>> -> memref<1x64x128xf32, #tpu.memory_space<vmem>>
    %dma_start3A_487 = tpu.memref_squeeze %dma_start3A_486 : memref<1x64x128xf32, #tpu.memory_space<vmem>> -> memref<64x128xf32, #tpu.memory_space<vmem>>
    tpu.enqueue_dma source(%dma_start3A_487 : memref<64x128xf32, #tpu.memory_space<vmem>>) target(%dma_start3A_483 : memref<64x128xf32, #tpu.memory_space<hbm>>) target_semaphore(%dma_start3A_479 : memref<!tpu.dma_semaphore, #tpu.memory_space<semaphore_mem>>)
    %dma_wait3A_488 = arith.constant 0 : i32
    %dma_wait3A_489 = arith.constant 0 : i32
    %dma_wait3A_490 = arith.constant 0 : i32
    %dma_wait3A_491 = arith.constant 0 : i32
    %dma_wait3A_492 = tpu.memref_slice %arg6[%dma_wait3A_488, %dma_wait3A_490, %dma_wait3A_491] : memref<4x64x128xf32, #tpu.memory_space<vmem>> -> memref<1x64x128xf32, #tpu.memory_space<vmem>>
    %dma_wait3A_493 = tpu.memref_squeeze %dma_wait3A_492 : memref<1x64x128xf32, #tpu.memory_space<vmem>> -> memref<64x128xf32, #tpu.memory_space<vmem>>
    %dma_wait3A_494 = arith.constant 0 : i32
    %dma_wait3A_495 = arith.constant 0 : i32
    %dma_wait3A_496 = tpu.memref_slice %arg4[%add3A, %dma_wait3A_494, %dma_wait3A_495] : memref<32x25600x128xf32, #tpu.memory_space<hbm>> -> memref<1x64x128xf32, #tpu.memory_space<hbm>>
    %dma_wait3A_497 = tpu.memref_squeeze %dma_wait3A_496 : memref<1x64x128xf32, #tpu.memory_space<hbm>> -> memref<64x128xf32, #tpu.memory_space<hbm>>
    %dma_wait3A_498 = tpu.memref_slice %arg9[%dma_wait3A_489] : memref<4x!tpu.dma_semaphore, #tpu.memory_space<semaphore_mem>> -> memref<1x!tpu.dma_semaphore, #tpu.memory_space<semaphore_mem>>
    %dma_wait3A_499 = tpu.memref_squeeze %dma_wait3A_498 : memref<1x!tpu.dma_semaphore, #tpu.memory_space<semaphore_mem>> -> memref<!tpu.dma_semaphore, #tpu.memory_space<semaphore_mem>>
    %dma_wait3A_500 = arith.constant 0 : i32
    %dma_wait3A_501 = arith.constant 0 : i32
    %dma_wait3A_502 = tpu.memref_slice %arg4[%add3A, %dma_wait3A_500, %dma_wait3A_501] : memref<32x25600x128xf32, #tpu.memory_space<hbm>> -> memref<1x64x128xf32, #tpu.memory_space<hbm>>
    %dma_wait3A_503 = tpu.memref_squeeze %dma_wait3A_502 : memref<1x64x128xf32, #tpu.memory_space<hbm>> -> memref<64x128xf32, #tpu.memory_space<hbm>>
    %dma_wait3A_504 = arith.constant 0 : i32
    %dma_wait3A_505 = arith.constant 0 : i32
    %dma_wait3A_506 = tpu.memref_slice %arg6[%dma_wait3A_488, %dma_wait3A_504, %dma_wait3A_505] : memref<4x64x128xf32, #tpu.memory_space<vmem>> -> memref<1x64x128xf32, #tpu.memory_space<vmem>>
    %dma_wait3A_507 = tpu.memref_squeeze %dma_wait3A_506 : memref<1x64x128xf32, #tpu.memory_space<vmem>> -> memref<64x128xf32, #tpu.memory_space<vmem>>
    tpu.wait_dma2 semaphore(%dma_wait3A_499 : memref<!tpu.dma_semaphore, #tpu.memory_space<semaphore_mem>>) src(%dma_wait3A_507 : memref<64x128xf32, #tpu.memory_space<vmem>>) dst(%dma_wait3A_503 : memref<64x128xf32, #tpu.memory_space<hbm>>)
    %dma_wait3A_508 = arith.constant 1 : i32
    %dma_wait3A_509 = arith.constant 1 : i32
    %dma_wait3A_510 = arith.constant 0 : i32
    %dma_wait3A_511 = arith.constant 0 : i32
    %dma_wait3A_512 = tpu.memref_slice %arg6[%dma_wait3A_508, %dma_wait3A_510, %dma_wait3A_511] : memref<4x64x128xf32, #tpu.memory_space<vmem>> -> memref<1x64x128xf32, #tpu.memory_space<vmem>>
    %dma_wait3A_513 = tpu.memref_squeeze %dma_wait3A_512 : memref<1x64x128xf32, #tpu.memory_space<vmem>> -> memref<64x128xf32, #tpu.memory_space<vmem>>
    %dma_wait3A_514 = arith.constant 0 : i32
    %dma_wait3A_515 = arith.constant 0 : i32
    %dma_wait3A_516 = tpu.memref_slice %arg4[%add3A, %dma_wait3A_514, %dma_wait3A_515] : memref<32x25600x128xf32, #tpu.memory_space<hbm>> -> memref<1x64x128xf32, #tpu.memory_space<hbm>>
    %dma_wait3A_517 = tpu.memref_squeeze %dma_wait3A_516 : memref<1x64x128xf32, #tpu.memory_space<hbm>> -> memref<64x128xf32, #tpu.memory_space<hbm>>
    %dma_wait3A_518 = tpu.memref_slice %arg9[%dma_wait3A_509] : memref<4x!tpu.dma_semaphore, #tpu.memory_space<semaphore_mem>> -> memref<1x!tpu.dma_semaphore, #tpu.memory_space<semaphore_mem>>
    %dma_wait3A_519 = tpu.memref_squeeze %dma_wait3A_518 : memref<1x!tpu.dma_semaphore, #tpu.memory_space<semaphore_mem>> -> memref<!tpu.dma_semaphore, #tpu.memory_space<semaphore_mem>>
    %dma_wait3A_520 = arith.constant 0 : i32
    %dma_wait3A_521 = arith.constant 0 : i32
    %dma_wait3A_522 = tpu.memref_slice %arg4[%add3A, %dma_wait3A_520, %dma_wait3A_521] : memref<32x25600x128xf32, #tpu.memory_space<hbm>> -> memref<1x64x128xf32, #tpu.memory_space<hbm>>
    %dma_wait3A_523 = tpu.memref_squeeze %dma_wait3A_522 : memref<1x64x128xf32, #tpu.memory_space<hbm>> -> memref<64x128xf32, #tpu.memory_space<hbm>>
    %dma_wait3A_524 = arith.constant 0 : i32
    %dma_wait3A_525 = arith.constant 0 : i32
    %dma_wait3A_526 = tpu.memref_slice %arg6[%dma_wait3A_508, %dma_wait3A_524, %dma_wait3A_525] : memref<4x64x128xf32, #tpu.memory_space<vmem>> -> memref<1x64x128xf32, #tpu.memory_space<vmem>>
    %dma_wait3A_527 = tpu.memref_squeeze %dma_wait3A_526 : memref<1x64x128xf32, #tpu.memory_space<vmem>> -> memref<64x128xf32, #tpu.memory_space<vmem>>
    tpu.wait_dma2 semaphore(%dma_wait3A_519 : memref<!tpu.dma_semaphore, #tpu.memory_space<semaphore_mem>>) src(%dma_wait3A_527 : memref<64x128xf32, #tpu.memory_space<vmem>>) dst(%dma_wait3A_523 : memref<64x128xf32, #tpu.memory_space<hbm>>)
    %dma_wait3A_528 = arith.constant 2 : i32
    %dma_wait3A_529 = arith.constant 2 : i32
    %dma_wait3A_530 = arith.constant 0 : i32
    %dma_wait3A_531 = arith.constant 0 : i32
    %dma_wait3A_532 = tpu.memref_slice %arg6[%dma_wait3A_528, %dma_wait3A_530, %dma_wait3A_531] : memref<4x64x128xf32, #tpu.memory_space<vmem>> -> memref<1x64x128xf32, #tpu.memory_space<vmem>>
    %dma_wait3A_533 = tpu.memref_squeeze %dma_wait3A_532 : memref<1x64x128xf32, #tpu.memory_space<vmem>> -> memref<64x128xf32, #tpu.memory_space<vmem>>
    %dma_wait3A_534 = arith.constant 0 : i32
    %dma_wait3A_535 = arith.constant 0 : i32
    %dma_wait3A_536 = tpu.memref_slice %arg4[%add3A, %dma_wait3A_534, %dma_wait3A_535] : memref<32x25600x128xf32, #tpu.memory_space<hbm>> -> memref<1x64x128xf32, #tpu.memory_space<hbm>>
    %dma_wait3A_537 = tpu.memref_squeeze %dma_wait3A_536 : memref<1x64x128xf32, #tpu.memory_space<hbm>> -> memref<64x128xf32, #tpu.memory_space<hbm>>
    %dma_wait3A_538 = tpu.memref_slice %arg9[%dma_wait3A_529] : memref<4x!tpu.dma_semaphore, #tpu.memory_space<semaphore_mem>> -> memref<1x!tpu.dma_semaphore, #tpu.memory_space<semaphore_mem>>
    %dma_wait3A_539 = tpu.memref_squeeze %dma_wait3A_538 : memref<1x!tpu.dma_semaphore, #tpu.memory_space<semaphore_mem>> -> memref<!tpu.dma_semaphore, #tpu.memory_space<semaphore_mem>>
    %dma_wait3A_540 = arith.constant 0 : i32
    %dma_wait3A_541 = arith.constant 0 : i32
    %dma_wait3A_542 = tpu.memref_slice %arg4[%add3A, %dma_wait3A_540, %dma_wait3A_541] : memref<32x25600x128xf32, #tpu.memory_space<hbm>> -> memref<1x64x128xf32, #tpu.memory_space<hbm>>
    %dma_wait3A_543 = tpu.memref_squeeze %dma_wait3A_542 : memref<1x64x128xf32, #tpu.memory_space<hbm>> -> memref<64x128xf32, #tpu.memory_space<hbm>>
    %dma_wait3A_544 = arith.constant 0 : i32
    %dma_wait3A_545 = arith.constant 0 : i32
    %dma_wait3A_546 = tpu.memref_slice %arg6[%dma_wait3A_528, %dma_wait3A_544, %dma_wait3A_545] : memref<4x64x128xf32, #tpu.memory_space<vmem>> -> memref<1x64x128xf32, #tpu.memory_space<vmem>>
    %dma_wait3A_547 = tpu.memref_squeeze %dma_wait3A_546 : memref<1x64x128xf32, #tpu.memory_space<vmem>> -> memref<64x128xf32, #tpu.memory_space<vmem>>
    tpu.wait_dma2 semaphore(%dma_wait3A_539 : memref<!tpu.dma_semaphore, #tpu.memory_space<semaphore_mem>>) src(%dma_wait3A_547 : memref<64x128xf32, #tpu.memory_space<vmem>>) dst(%dma_wait3A_543 : memref<64x128xf32, #tpu.memory_space<hbm>>)
    %dma_wait3A_548 = arith.constant 3 : i32
    %dma_wait3A_549 = arith.constant 3 : i32
    %dma_wait3A_550 = arith.constant 0 : i32
    %dma_wait3A_551 = arith.constant 0 : i32
    %dma_wait3A_552 = tpu.memref_slice %arg6[%dma_wait3A_548, %dma_wait3A_550, %dma_wait3A_551] : memref<4x64x128xf32, #tpu.memory_space<vmem>> -> memref<1x64x128xf32, #tpu.memory_space<vmem>>
    %dma_wait3A_553 = tpu.memref_squeeze %dma_wait3A_552 : memref<1x64x128xf32, #tpu.memory_space<vmem>> -> memref<64x128xf32, #tpu.memory_space<vmem>>
    %dma_wait3A_554 = arith.constant 0 : i32
    %dma_wait3A_555 = arith.constant 0 : i32
    %dma_wait3A_556 = tpu.memref_slice %arg4[%add3A, %dma_wait3A_554, %dma_wait3A_555] : memref<32x25600x128xf32, #tpu.memory_space<hbm>> -> memref<1x64x128xf32, #tpu.memory_space<hbm>>
    %dma_wait3A_557 = tpu.memref_squeeze %dma_wait3A_556 : memref<1x64x128xf32, #tpu.memory_space<hbm>> -> memref<64x128xf32, #tpu.memory_space<hbm>>
    %dma_wait3A_558 = tpu.memref_slice %arg9[%dma_wait3A_549] : memref<4x!tpu.dma_semaphore, #tpu.memory_space<semaphore_mem>> -> memref<1x!tpu.dma_semaphore, #tpu.memory_space<semaphore_mem>>
    %dma_wait3A_559 = tpu.memref_squeeze %dma_wait3A_558 : memref<1x!tpu.dma_semaphore, #tpu.memory_space<semaphore_mem>> -> memref<!tpu.dma_semaphore, #tpu.memory_space<semaphore_mem>>
    %dma_wait3A_560 = arith.constant 0 : i32
    %dma_wait3A_561 = arith.constant 0 : i32
    %dma_wait3A_562 = tpu.memref_slice %arg4[%add3A, %dma_wait3A_560, %dma_wait3A_561] : memref<32x25600x128xf32, #tpu.memory_space<hbm>> -> memref<1x64x128xf32, #tpu.memory_space<hbm>>
    %dma_wait3A_563 = tpu.memref_squeeze %dma_wait3A_562 : memref<1x64x128xf32, #tpu.memory_space<hbm>> -> memref<64x128xf32, #tpu.memory_space<hbm>>
    %dma_wait3A_564 = arith.constant 0 : i32
    %dma_wait3A_565 = arith.constant 0 : i32
    %dma_wait3A_566 = tpu.memref_slice %arg6[%dma_wait3A_548, %dma_wait3A_564, %dma_wait3A_565] : memref<4x64x128xf32, #tpu.memory_space<vmem>> -> memref<1x64x128xf32, #tpu.memory_space<vmem>>
    %dma_wait3A_567 = tpu.memref_squeeze %dma_wait3A_566 : memref<1x64x128xf32, #tpu.memory_space<vmem>> -> memref<64x128xf32, #tpu.memory_space<vmem>>
    tpu.wait_dma2 semaphore(%dma_wait3A_559 : memref<!tpu.dma_semaphore, #tpu.memory_space<semaphore_mem>>) src(%dma_wait3A_567 : memref<64x128xf32, #tpu.memory_space<vmem>>) dst(%dma_wait3A_563 : memref<64x128xf32, #tpu.memory_space<hbm>>)
    return
  }
}

</mosaic_0001>

<sc_bundles>
// kernel: kernel.3.cloned.1.call-start
scs
__scs_entry_jumppad:
0x0: {  	(pc) =	sbr.rel $0x88, $3  }
0x1: {  	(tag) =	ssettag $0x0;
	lr =	simm.s32 $0x1  }
0x2: {  	[smem:$0x3F9F] =	sst lr;
	_ =	strace $0xD0000000  }
0x3: {  	_ = 	snop  }
0x4: {  	_ = 	snop  }
0x5: {  	_ = 	snop  }
0x6: {  	_ = 	snop  }
0x7: {  	_ = 	snop  }
__scs_overlays_trampoline_lowered:
0x8: {  	[smem:$0x3FAE] =	sst s0  }
0x9: {  	[smem:$0x3FAF] =	sst s1  }
0xa: {  	[smem:$0x3FB0] =	sst s2  }
0xb: {  	[smem:$0x3FB1] =	sst s3  }
0xc: {  	[smem:$0x3FB2] =	sst s4  }
0xd: {  	[smem:$0x3FB3] =	sst s5  }
0xe: {  	[smem:$0x3FB4] =	sst s6  }
0xf: {  	[smem:$0x3FB5] =	sst s7  }
0x10: {  	[smem:$0x3FB6] =	sst s8  }
0x11: {  	[smem:$0x3FB7] =	sst s9;
	s0 =	simm.s32 @!p0 $0x0  }
0x12: {  	s1 =	sld [smem:$0x3F9D];
	s0 =	simm.s32 @p0 $0x1  }
0x13: {  	[smem:$0x3FB8] =	sst s0;
	s0 =	simm.s32 @!p1 $0x0  }
0x14: {  	s2 =	sld [smem:$0x3F9C];
	s0 =	simm.s32 @p1 $0x1  }
0x15: {  	[smem:$0x3FB9] =	sst s0;
	s0 =	simm.s32 @!p2 $0x0  }
0x16: {  	s3 =	sld [smem:$0x3FDB];
	s0 =	simm.s32 @p2 $0x1  }
0x17: {  	s4 =	simm.s32 $0x1BF5;
	[smem:$0x3FBB] =	sst s0  }
0x18: {  	s0 =	sld [smem:$0x3F9E];
	_ =	swait.ge [sflag:s4], $0x0  }
0x19: {  	s7 =	sld [smem:$0x3F9F]  }
0x1a: {  	s8 =	sadd.s32 $0xFFFFE003, lr  }
0x1b: {  	s9 =	sadd.s32 $0xFFFFFEF7, lr;
	s5 =	simm.s32 $0xFFFFFFFF;
	p2 =	slt.u32 s8, $0xFFFFF086  }
0x1c: {  	p1 =	slt.u32 s9, $0xF7A;
	s5 =	simm.s32 @!p2 $0x0  }
0x1d: {  	s5 =	simm.s32 @p1 $0x1;
	p0 =	seq.s32 s7, s2  }
0x1e: {  	s7 =	smul.u32 @!p0 $0xF7A, s2;
	p2 =	seq.s32 @!p0 s5, $0x0  }
0x1f: {  	s9 =	smul.u32 $0xF7A, s1;
	s8 =	simm.s32 @!p0 $0x1BF5;
	p2 =	por !p2, p0  }
0x20: {  	[sflag:s8] =	ssyncset.s32 @!p0 $0xFFFFF086;
	s6 =	sadd.s32 @!p0 s3, s7;
	s7 =	simm.s32 @!p0 $0x108  }
0x21: {  	s3 =	sadd.s32 s3, s9;
	s6 =	sadd.s32 @!p0 $0x88, s6;
	s7 =	simm.s32 @p2 $0x1082  }
0x22: {  	[simem:s7], [sflag:s8] =	dma.local @!p0 [hbm:s6], $0xF7A  }
0x23: {  	s9 =	sor.u32 $0xD0000000, s2;
	s6 =	simm.s32 $0x108;
	_ =	swait.ge @!p0 [sflag:s8], $0x0  }
0x24: {  	s3 =	sadd.s32 $0x88, s3;
	s6 =	simm.s32 @!p1 $0x1082;
	[sflag:s4] =	ssyncset.s32 $0xFFFFF086  }
0x25: {  	[simem:s6], [sflag:s4] =	dma.local [hbm:s3], $0xF7A  }
0x26: {  	[smem:$0x3F9F] =	sst s1;
	(tag) =	ssettag s2;
	_ =	strace s9  }
0x27: {  	s1 =	sld [smem:$0x3FAF]  }
0x28: {  	s2 =	sld [smem:$0x3FB0]  }
0x29: {  	s4 =	sld [smem:$0x3FB2]  }
0x2a: {  	p0 =	seq.s32 s5, $0x0;
	s5 =	sld [smem:$0x3FB3]  }
0x2b: {  	s6 =	sld [smem:$0x3FB4]  }
0x2c: {  	s7 =	sld [smem:$0x3FB5]  }
0x2d: {  	s3 =	simm.s32 $0x108;
	s8 =	sld [smem:$0x3FB6]  }
0x2e: {  	s3 =	simm.s32 @!p0 $0x1082;
	s9 =	sld [smem:$0x3FB7]  }
0x2f: {  	lr =	sadd.s32 s0, s3;
	s0 =	sld [smem:$0x3FAE]  }
0x30: {  	s3 =	sld [smem:$0x3FB1]  }
0x31: {  	[smem:$0x3FBA] =	sst s10  }
0x32: {  	s10 =	sld [smem:$0x3FB8];
	_ =	sdelay $0x3  }
0x33: {  	p0 =	seq.s32 s10, $0x1;
	s10 =	sld [smem:$0x3FBA];
	_ =	sdelay $0x3  }
0x34: {  	[smem:$0x3FBA] =	sst s10  }
0x35: {  	s10 =	sld [smem:$0x3FB9];
	_ =	sdelay $0x3  }
0x36: {  	p1 =	seq.s32 s10, $0x1;
	s10 =	sld [smem:$0x3FBA];
	_ =	sdelay $0x3  }
0x37: {  	[smem:$0x3FBA] =	sst s10  }
0x38: {  	s10 =	sld [smem:$0x3FBB]  }
0x39: {  	_ = 	snop;
	(pc) =	sbr.ind lr, $3  }
0x3a: {  	_ = 	snop  }
0x3b: {  	_ = 	snop  }
0x3c: {  	p2 =	seq.s32 s10, $0x1;
	s10 =	sld [smem:$0x3FBA]  }
0x3d: {  	_ =	shalt  }
0x3e: {  	_ =	shalt  }
0x3f: {  	_ =	shalt  }
0x40: {  	_ =	shalt  }
0x41: {  	_ =	shalt  }
0x42: {  	_ =	shalt  }
0x43: {  	_ =	shalt  }
0x44: {  	_ =	shalt  }
0x45: {  	_ =	shalt  }
0x46: {  	_ =	shalt  }
0x47: {  	_ =	shalt  }
0x48: {  	_ =	shalt  }
0x49: {  	_ =	shalt  }
0x4a: {  	_ =	shalt  }
0x4b: {  	_ =	shalt  }
0x4c: {  	_ =	shalt  }
0x4d: {  	_ =	shalt  }
0x4e: {  	_ =	shalt  }
0x4f: {  	_ =	shalt  }
0x50: {  	_ =	shalt  }
0x51: {  	_ =	shalt  }
0x52: {  	_ =	shalt  }
0x53: {  	_ =	shalt  }
0x54: {  	_ =	shalt  }
0x55: {  	_ =	shalt  }
0x56: {  	_ =	shalt  }
0x57: {  	_ =	shalt  }
0x58: {  	_ =	shalt  }
0x59: {  	_ =	shalt  }
0x5a: {  	_ =	shalt  }
0x5b: {  	_ =	shalt  }
0x5c: {  	_ =	shalt  }
0x5d: {  	_ =	shalt  }
0x5e: {  	_ =	shalt  }
0x5f: {  	_ =	shalt  }
0x60: {  	_ =	shalt  }
0x61: {  	_ =	shalt  }
0x62: {  	_ =	shalt  }
0x63: {  	_ =	shalt  }
0x64: {  	_ =	shalt  }
0x65: {  	_ =	shalt  }
0x66: {  	_ =	shalt  }
0x67: {  	_ =	shalt  }
0x68: {  	_ =	shalt  }
0x69: {  	_ =	shalt  }
0x6a: {  	_ =	shalt  }
0x6b: {  	_ =	shalt  }
0x6c: {  	_ =	shalt  }
0x6d: {  	_ =	shalt  }
0x6e: {  	_ =	shalt  }
0x6f: {  	_ =	shalt  }
0x70: {  	_ =	shalt  }
0x71: {  	_ =	shalt  }
0x72: {  	_ =	shalt  }
0x73: {  	_ =	shalt  }
0x74: {  	_ =	shalt  }
0x75: {  	_ =	shalt  }
0x76: {  	_ =	shalt  }
0x77: {  	_ =	shalt  }
0x78: {  	_ =	shalt  }
0x79: {  	_ =	shalt  }
0x7a: {  	_ =	shalt  }
0x7b: {  	_ =	shalt  }
0x7c: {  	_ =	shalt  }
0x7d: {  	_ =	shalt  }
0x7e: {  	_ =	shalt  }
0x7f: {  	_ =	shalt  }
0x80: {  	_ =	shalt  }
0x81: {  	_ =	shalt  }
0x82: {  	_ =	shalt  }
0x83: {  	_ =	shalt  }
0x84: {  	_ =	shalt  }
0x85: {  	_ =	shalt  }
0x86: {  	_ =	shalt  }
0x87: {  	_ =	shalt  }
.Lfunc_end0:
.L_simem_size_0:
called_computation_lowered:
.L_overlay_start_0:
0x88: {  	s2 =	sld [smem:$0x3FD9]  }
0x89: {  	s3 =	sld [smem:$0x3FFE];
	_ =	sdelay $0x1  }
0x8a: {  	s1 =	srdreg.scid  }
0x8b: {  	s0 =	sand.u32 $0x1, s1  }
0x8c: {  	s17 =	sshll.u32 s0, $0xA;
	s2 =	sadd.s32 s3, s2  }
0x8d: {  	s2 =	sadd.s32 s2, s17  }
0x8e: {  	[smem:$0x3FC6] =	sst s2  }
0x8f: {  	_ = 	snop  }
0x90: {  	s2 =	sld [smem:$0x3FC8]  }
0x91: {  	s18 =	sld [smem:$0x3FD0];
	(tm) =	ssettm $0x1  }
0x92: {  	s4 =	sld [smem:$0x3FFB];
	_ =	sdelay $0x3  }
0x93: {  	_ =	strace s4  }
0x94: {  	s4 =	sld [smem:$0x3FFC];
	_ =	sdelay $0x3  }
0x95: {  	_ =	strace s4  }
0x96: {  	s4 =	sld [smem:$0x3FFD];
	_ =	sdelay $0x3  }
0x97: {  	_ =	strace s4  }
0x98: {  	_ =	strace $0x8FFFFFFF  }
0x99: {  	s19 =	sld [smem:$0x3FDB];
	_ =	sdelay $0x1  }
0x9a: {  	s5 =	simm.s32 $_scs_section_size  }
0x9b: {  	s6 =	simm.s32 $_size__tile_overlayer_lowered;
	s7 =	simm.s32 $_tile_overlayer_lowered  }
0x9c: {  	s22 =	simm.s32 $0x1BFF;
	s21 =	sshll.u32 s7, $0x1;
	s4 =	sadd.s32 s5, s19  }
0x9d: {  	s8 =	simm.s32 $0x0;
	s20 =	sshll.u32 s6, $0x1;
	s6 =	sadd.s32 s21, s4  }
0x9e: {  	[timem:s8], [sflag:s22] =	dma.local [hbm:s6], s20  }
0x9f: {  	_ =	swait.ge [sflag:s22], s20  }
0xa0: {  	s5 =	ssub.s32 $0x0, s20;
	[sflag:s22] =	ssyncset.done $0x0  }
0xa1: {  	[sflag:s22] =	ssyncadd.s32 s5;
	_ =	sdelay $0x1  }
0xa2: {  	s23 =	simm.s32 $0x1B8B  }
0xa3: {  	_ =	swait.ge [sflag:s23], $0x1  }
0xa4: {  	[sflag:s23] =	ssyncset.done $0x0  }
0xa5: {  	s25 =	simm.s32 $0x1B8E;
	s24 =	sld [smem:$0x3FFE];
	[sflag:s23] =	ssyncadd.s32 $0xFFFFFFFF  }
0xa6: {  	s26 =	simm.s32 $execute0_lowered;
	[smem:$0x3FD2] =	sst s25  }
0xa7: {  	s6 =	sshll.u32 s26, $0x1;
	_ =	strace $0x80000046;
	[dreg:$0x1] =	wrdreg $0xFFFFFFFF  }
0xa8: {  	s28 =	simm.s32 $_size_execute0_lowered;
	s4 =	sadd.s32 s4, s6;
	[dreg:$0x0] =	wrdreg $0x0  }
0xa9: {  	s6 =	sshll.u32 s28, $0x1;
	[dreg:$0x2] =	wrdreg s4  }
0xaa: {  	[dreg:$0x3] =	wrdreg s6  }
0xab: {  	[dreg:$0x4] =	wrdreg $0xC0  }
0xac: {  	_ =	task [dreg:s8], $0x5FFFF  }
0xad: {  	[dreg:$0x1] =	wrdreg $0xFFFFFFFF  }
0xae: {  	[dreg:$0x0] =	wrdreg $0x60  }
0xaf: {  	[dreg:$0x2] =	wrdreg s2  }
0xb0: {  	[dreg:$0x3] =	wrdreg s24  }
0xb1: {  	[dreg:$0x4] =	wrdreg s18  }
0xb2: {  	[dreg:$0x5] =	wrdreg $0xE4000  }
0xb3: {  	[dreg:$0x6] =	wrdreg $0x9  }
0xb4: {  	_ =	task.clear_ibuf [dreg:s8], $0x7FFFF;
	_ =	strace $0x90000046  }
0xb5: {  	s29 =	simm.s32 $0x9;
	_ =	strace $0x80000048  }
0xb6: {  	_ =	swait.ge [sflag:s29], $0x1  }
0xb7: {  	[sflag:s29] =	ssyncadd.s32 $0xFFFFFFFF  }
0xb8: {  	_ =	strace $0x90000048  }
0xb9: {  	_ =	sfence  }
0xba: {  	s30 =	sld [smem:$0x0];
	_ =	sdelay $0x2  }
0xbb: {  	s31 =	sshll.u32 s1, $0xD;
	s1 =	sshrl.u32 s1, $0x2  }
0xbc: {  	s3 =	sand.u32 $0x4000, s31;
	s1 =	sadd.s32 s1, s30  }
0xbd: {  	s0 =	sor.u32 s3, s0;
	s1 =	sshll.u32 s1, $0x11  }
0xbe: {  	s0 =	sor.u32 s1, s0  }
0xbf: {  	s0 =	sadd.s32 $0x8F2B, s0  }
0xc0: {  	[sflag:s0] =	ssyncadd.remote.s32 $0x1  }
0xc1: {  	_ =	sfence.sel $0xFFFF  }
0xc2: {  	[dreg:$0x0] =	wrdreg $0xFFFFFFFF;
	(pc) =	sbr.abs _section_cstart, $3  }
0xc3: {  	[dreg:$0x1] =	wrdreg $0xFFFFFFFF  }
0xc4: {  	_ =	task.clear_ibuf [dreg:s8], $0x2FFFF;
	_ =	strace $0x9FFFFFFF  }
0xc5: {  	(tm) =	ssettm $0x7FFFFFFF  }
tec
execute0_lowered:
.L_overlay_start_1:
0x0: {  	(tag) =	ssettag $0x1  }
0x1: {  	s0 =	rddreg [dreg:$0x0]  }
0x2: {  	s1 =	rddreg [dreg:$0x1];
	s2 =	srdreg.scid  }
0x3: {  	s10 =	stileid.u32;
	s4 =	rddreg [dreg:$0x2]  }
0x4: {  	s29 =	simm.s32 $0xC400;
	s30 =	simm.s32 $0x1;
	s31 =	simm.s32 $0x5  }
0x5: {  	s5 =	sand.u32 $0x1, s2;
	s3 =	sshll.u32 s10, $0x1;
	s2 =	rddreg [dreg:$0x3]  }
0x6: {  	s25 =	sshll.u32 s10, $0x6;
	s6 =	sor.u32 s5, s3;
	s3 =	simm.s32 $0x0  }
0x7: {  	s26 =	ssub.s32 $0x2, s5;
	s7 =	smul.u32 $0xC80, s6;
	[smem:$0x7FF] =	sst s3  }
0x8: {  	s8 =	sshrl.u32 s26, $0x1;
	s6 =	smul.u32 $0x320000, s6;
	_ =	strace $0x80000047  }
0x9: {  	s1 =	sadd.s32 s7, s1;
	s7 =	ssub.s32 s26, s8;
	s26 =	sor.u32 $0x1C09, s25  }
0xa: {  	s6 =	sshrl.u32 s6, $0x3;
	s1 =	sadd.s32 $0x400, s1;
	[dreg:$0xf] =	wrdreg s26  }
0xb: {  	s6 =	sadd.s32 s4, s6;
	s7 =	smax.u32 s7, $0x1;
	[dreg:$0x5] =	wrdreg s1  }
0xc: {  	s28 =	simm.s32 $0x7;
	s13 =	sadd.s32 $0x400, s6;
	[dreg:$0xe] =	wrdreg s7  }
0xd: {  	s9 =	sshll.u32 s10, $0x10;
	s14 =	sadd.s32 $0x800, s6;
	[dreg:$0x7] =	wrdreg s13  }
0xe: {  	s11 =	smul.u32 $0x640000, s10;
	s15 =	sadd.s32 $0xC00, s6;
	[dreg:$0x8] =	wrdreg s14  }
0xf: {  	s12 =	smul.u32 $0x320000, s5;
	s16 =	sadd.s32 $0x63000, s6;
	[dreg:$0x9] =	wrdreg s15  }
0x10: {  	s25 =	simm.s32 $0x6;
	s17 =	sadd.s32 $0x63400, s6;
	[dreg:$0xa] =	wrdreg s16  }
0x11: {  	s1 =	sadd.s32 s9, s2;
	s18 =	sadd.s32 $0x63800, s6;
	[dreg:$0xb] =	wrdreg s17  }
0x12: {  	s9 =	sshll.u32 s10, $0xD;
	s19 =	sadd.s32 $0x63C00, s6;
	[dreg:$0xc] =	wrdreg s18  }
0x13: {  	s26 =	simm.s32 $0xA400;
	s0 =	sadd.s32 s0, s9;
	[dreg:$0xd] =	wrdreg s19  }
0x14: {  	s7 =	simm.s32 $0x0;
	[dreg:$0x6] =	wrdreg s0;
	s0 =	sadd.s32 s12, s11  }
0x15: {  	s19 =	simm.s32 $0x9;
	s20 =	sor.u32 $0xC000, s0;
	s21 =	sor.u32 $0xA000, s0  }
0x16: {  	s23 =	sor.u32 $0x8000, s0;
	s0 =	sor.u32 $0xE000, s0;
	s5 =	sshrl.u32 s20, $0x3  }
0x17: {  	s22 =	sshrl.u32 s21, $0x3;
	s24 =	sshrl.u32 s23, $0x3;
	s0 =	sshrl.u32 s0, $0x3  }
0x18: {  	s21 =	sshrl.u32 s1, $0x3;
	s23 =	simm.s32 $0x6400;
	s1 =	simm.s32 $0x3  }
0x19: {  	s15 =	sadd.s32 s5, s4;
	s16 =	sadd.s32 s22, s4;
	s17 =	sadd.s32 s24, s4  }
0x1a: {  	s13 =	sadd.s32 s0, s4;
	s22 =	simm.s32 $0x40;
	s24 =	simm.s32 $0x8400  }
0x1b: {  	s0 =	simm.s32 $0x2;
	s4 =	simm.s32 $0x4;
	s5 =	simm.s32 $0x8  }
.LBB2_1:
0x1c: {  	s8 =	rddreg [dreg:$0x5]  }
0x1d: {  	[tilespmem:s3], [sflag:$0x9] =	stream.linear.gather [hbm4b:s8+s3], $0x6400, $0x38;
	[tilespmem:$0x1E400] =	vst v63  }
0x1e: {  	_ =	swait.ge [sflag:s19], $0x6400  }
0x1f: {  	[sflag:s19] =	ssyncset.done $0x0;
	s10 =	rddreg [dreg:$0x6]  }
0x20: {  	s9 =	rddreg [dreg:$0xf];
	[sflag:s19] =	ssyncadd.s32 $0xFFFF9C00  }
0x21: {  	[spmem:s21], [sflag:s9] =	dma.local [hbm:s10], $0x2000  }
0x22: {  	_ =	swait.ge [sflag:s19], $0x2000  }
0x23: {  	[sflag:s19] =	ssyncset.done $0x0  }
0x24: {  	[sflag:s19] =	ssyncadd.s32 $0xFFFFE000  }
0x25: {  	[bflag:$0x0] =	sbarrier.arrive $0xFFFF  }
0x26: {  	[tilespmem:s23], [sflag:$0x1] =	stream.indirect.gather [spmem:s2], $0x80, s3, s22, $0xb8;
	[tilespmem:$0x1E400] =	vst v63  }
0x27: {  	_ = 	snop  }
0x28: {  	[tilespmem:s24], [sflag:$0x2] =	stream.indirect.gather [spmem:s2], $0x80, s22, s22, $0xb8;
	[tilespmem:$0x1E400] =	vst v63  }
0x29: {  	s11 =	simm.s32 $0x80  }
0x2a: {  	[tilespmem:s26], [sflag:$0x3] =	stream.indirect.gather [spmem:s2], $0x80, s11, s22, $0xb8;
	[tilespmem:$0x1E400] =	vst v63  }
0x2b: {  	s12 =	simm.s32 $0xC0  }
0x2c: {  	[tilespmem:s29], [sflag:$0x4] =	stream.indirect.gather [spmem:s2], $0x80, s12, s22, $0xb8;
	[tilespmem:$0x1E400] =	vst v63  }
0x2d: {  	_ =	swait.ge [sflag:s30], $0x2000  }
0x2e: {  	[sflag:s30] =	ssyncset.done $0x0  }
0x2f: {  	[sflag:s30] =	ssyncadd.s32 $0xFFFFE000  }
0x30: {  	[hbm4b:s6+s3] =	stream.linear.scatter [tilespmem:s23], [sflag:$0x5], $0x2000, $0x38;
	[tilespmem:$0x1E400] =	vst v63  }
0x31: {  	_ =	swait.ge [sflag:s31], $0x2000  }
0x32: {  	[sflag:s31] =	ssyncset.done $0x0  }
0x33: {  	s14 =	simm.s32 $0x100;
	[sflag:s31] =	ssyncadd.s32 $0xFFFFE000  }
0x34: {  	[tilespmem:s23], [sflag:$0x1] =	stream.indirect.gather [spmem:s2], $0x80, s14, s22, $0xb8;
	[tilespmem:$0x1E400] =	vst v63  }
0x35: {  	_ =	swait.ge [sflag:s0], $0x2000  }
0x36: {  	[sflag:s0] =	ssyncset.done $0x0  }
0x37: {  	s18 =	rddreg [dreg:$0x7];
	[sflag:s0] =	ssyncadd.s32 $0xFFFFE000  }
0x38: {  	[hbm4b:s18+s3] =	stream.linear.scatter [tilespmem:s24], [sflag:$0x6], $0x2000, $0x38;
	[tilespmem:$0x1E400] =	vst v63  }
0x39: {  	_ =	swait.ge [sflag:s25], $0x2000  }
0x3a: {  	[sflag:s25] =	ssyncset.done $0x0  }
0x3b: {  	s20 =	simm.s32 $0x140;
	[sflag:s25] =	ssyncadd.s32 $0xFFFFE000  }
0x3c: {  	[tilespmem:s24], [sflag:$0x2] =	stream.indirect.gather [spmem:s2], $0x80, s20, s22, $0xb8;
	[tilespmem:$0x1E400] =	vst v63  }
0x3d: {  	_ =	swait.ge [sflag:s1], $0x2000  }
0x3e: {  	[sflag:s1] =	ssyncset.done $0x0  }
0x3f: {  	s9 =	rddreg [dreg:$0x8];
	[sflag:s1] =	ssyncadd.s32 $0xFFFFE000  }
0x40: {  	[hbm4b:s9+s3] =	stream.linear.scatter [tilespmem:s26], [sflag:$0x7], $0x2000, $0x38;
	[tilespmem:$0x1E400] =	vst v63  }
0x41: {  	_ =	swait.ge [sflag:s28], $0x2000  }
0x42: {  	[sflag:s28] =	ssyncset.done $0x0  }
0x43: {  	s10 =	simm.s32 $0x180;
	[sflag:s28] =	ssyncadd.s32 $0xFFFFE000  }
0x44: {  	[tilespmem:s26], [sflag:$0x3] =	stream.indirect.gather [spmem:s2], $0x80, s10, s22, $0xb8;
	[tilespmem:$0x1E400] =	vst v63  }
0x45: {  	_ =	swait.ge [sflag:s4], $0x2000  }
0x46: {  	[sflag:s4] =	ssyncset.done $0x0  }
0x47: {  	s11 =	rddreg [dreg:$0x9];
	[sflag:s4] =	ssyncadd.s32 $0xFFFFE000  }
0x48: {  	[hbm4b:s11+s3] =	stream.linear.scatter [tilespmem:s29], [sflag:$0x8], $0x2000, $0x38;
	[tilespmem:$0x1E400] =	vst v63  }
0x49: {  	_ =	swait.ge [sflag:s5], $0x2000  }
0x4a: {  	[sflag:s5] =	ssyncset.done $0x0  }
0x4b: {  	s12 =	simm.s32 $0x1C0;
	[sflag:s5] =	ssyncadd.s32 $0xFFFFE000  }
0x4c: {  	[tilespmem:s29], [sflag:$0x4] =	stream.indirect.gather [spmem:s2], $0x80, s12, s22, $0xb8;
	[tilespmem:$0x1E400] =	vst v63  }
0x4d: {  	_ =	swait.ge [sflag:s30], $0x2000  }
0x4e: {  	[sflag:s30] =	ssyncset.done $0x0  }
0x4f: {  	[sflag:s30] =	ssyncadd.s32 $0xFFFFE000  }
0x50: {  	[hbm4b:s17+s3] =	stream.linear.scatter [tilespmem:s23], [sflag:$0x5], $0x2000, $0x38;
	[tilespmem:$0x1E400] =	vst v63  }
0x51: {  	_ =	swait.ge [sflag:s31], $0x2000  }
0x52: {  	[sflag:s31] =	ssyncset.done $0x0  }
0x53: {  	s14 =	simm.s32 $0x200;
	[sflag:s31] =	ssyncadd.s32 $0xFFFFE000  }
0x54: {  	[tilespmem:s23], [sflag:$0x1] =	stream.indirect.gather [spmem:s2], $0x80, s14, s22, $0xb8;
	[tilespmem:$0x1E400] =	vst v63  }
0x55: {  	_ =	swait.ge [sflag:s0], $0x2000  }
0x56: {  	[sflag:s0] =	ssyncset.done $0x0  }
0x57: {  	[sflag:s0] =	ssyncadd.s32 $0xFFFFE000  }
0x58: {  	[hbm4b:s16+s3] =	stream.linear.scatter [tilespmem:s24], [sflag:$0x6], $0x2000, $0x38;
	[tilespmem:$0x1E400] =	vst v63  }
0x59: {  	_ =	swait.ge [sflag:s25], $0x2000  }
0x5a: {  	[sflag:s25] =	ssyncset.done $0x0  }
0x5b: {  	s18 =	simm.s32 $0x240;
	[sflag:s25] =	ssyncadd.s32 $0xFFFFE000  }
0x5c: {  	[tilespmem:s24], [sflag:$0x2] =	stream.indirect.gather [spmem:s2], $0x80, s18, s22, $0xb8;
	[tilespmem:$0x1E400] =	vst v63  }
0x5d: {  	_ =	swait.ge [sflag:s1], $0x2000  }
0x5e: {  	[sflag:s1] =	ssyncset.done $0x0  }
0x5f: {  	[sflag:s1] =	ssyncadd.s32 $0xFFFFE000  }
0x60: {  	[hbm4b:s15+s3] =	stream.linear.scatter [tilespmem:s26], [sflag:$0x7], $0x2000, $0x38;
	[tilespmem:$0x1E400] =	vst v63  }
0x61: {  	_ =	swait.ge [sflag:s28], $0x2000  }
0x62: {  	[sflag:s28] =	ssyncset.done $0x0  }
0x63: {  	s20 =	simm.s32 $0x280;
	[sflag:s28] =	ssyncadd.s32 $0xFFFFE000  }
0x64: {  	[tilespmem:s26], [sflag:$0x3] =	stream.indirect.gather [spmem:s2], $0x80, s20, s22, $0xb8;
	[tilespmem:$0x1E400] =	vst v63  }
0x65: {  	s8 =	simm.s32 $0x400;
	s9 =	sadd.s32 $0x1000, s17;
	_ =	swait.ge [sflag:s4], $0x2000  }
0x66: {  	s10 =	sadd.s32 $0x1000, s13;
	s11 =	sadd.s32 $0x1000, s15;
	[sflag:s4] =	ssyncset.done $0x0  }
0x67: {  	s12 =	sadd.s32 $0x1000, s16;
	s18 =	smov.u32 s13;
	[sflag:s4] =	ssyncadd.s32 $0xFFFFE000  }
.LBB2_2:
0x68: {  	[hbm4b:s18+s3] =	stream.linear.scatter [tilespmem:s29], [sflag:$0x8], $0x2000, $0x38;
	[tilespmem:$0x1E400] =	vst v63  }
0x69: {  	s14 =	smov.u32 s8;
	s18 =	smov.u32 s10  }
0x6a: {  	p0 =	sne.s32 s8, $0x18400;
	s8 =	sadd.s32 $0x400, s8;
	_ =	swait.ge [sflag:s5], $0x2000  }
0x6b: {  	s14 =	sshra.s32 s14, $0x2;
	[sflag:s5] =	ssyncset.done $0x0  }
0x6c: {  	s20 =	sadd.s32 $0x1C0, s14;
	[sflag:s5] =	ssyncadd.s32 $0xFFFFE000  }
0x6d: {  	[tilespmem:s29], [sflag:$0x4] =	stream.indirect.gather [spmem:s2], $0x80, s20, s22, $0xb8;
	[tilespmem:$0x1E400] =	vst v63  }
0x6e: {  	_ =	swait.ge [sflag:s30], $0x2000  }
0x6f: {  	[sflag:s30] =	ssyncset.done $0x0  }
0x70: {  	[sflag:s30] =	ssyncadd.s32 $0xFFFFE000  }
0x71: {  	[hbm4b:s9+s3] =	stream.linear.scatter [tilespmem:s23], [sflag:$0x5], $0x2000, $0x38;
	[tilespmem:$0x1E400] =	vst v63  }
0x72: {  	_ =	swait.ge [sflag:s31], $0x2000  }
0x73: {  	[sflag:s31] =	ssyncset.done $0x0  }
0x74: {  	s20 =	sadd.s32 $0x200, s14;
	[sflag:s31] =	ssyncadd.s32 $0xFFFFE000  }
0x75: {  	[tilespmem:s23], [sflag:$0x1] =	stream.indirect.gather [spmem:s2], $0x80, s20, s22, $0xb8;
	[tilespmem:$0x1E400] =	vst v63  }
0x76: {  	_ =	swait.ge [sflag:s0], $0x2000  }
0x77: {  	[sflag:s0] =	ssyncset.done $0x0  }
0x78: {  	[sflag:s0] =	ssyncadd.s32 $0xFFFFE000  }
0x79: {  	[hbm4b:s12+s3] =	stream.linear.scatter [tilespmem:s24], [sflag:$0x6], $0x2000, $0x38;
	[tilespmem:$0x1E400] =	vst v63  }
0x7a: {  	_ =	swait.ge [sflag:s25], $0x2000  }
0x7b: {  	[sflag:s25] =	ssyncset.done $0x0  }
0x7c: {  	s20 =	sadd.s32 $0x240, s14;
	[sflag:s25] =	ssyncadd.s32 $0xFFFFE000  }
0x7d: {  	[tilespmem:s24], [sflag:$0x2] =	stream.indirect.gather [spmem:s2], $0x80, s20, s22, $0xb8;
	[tilespmem:$0x1E400] =	vst v63  }
0x7e: {  	_ =	swait.ge [sflag:s1], $0x2000  }
0x7f: {  	[sflag:s1] =	ssyncset.done $0x0  }
0x80: {  	[sflag:s1] =	ssyncadd.s32 $0xFFFFE000  }
0x81: {  	[hbm4b:s11+s3] =	stream.linear.scatter [tilespmem:s26], [sflag:$0x7], $0x2000, $0x38;
	[tilespmem:$0x1E400] =	vst v63  }
0x82: {  	_ =	swait.ge [sflag:s28], $0x2000  }
0x83: {  	[sflag:s28] =	ssyncset.done $0x0  }
.Ltmp0:
0x84: {  	s14 =	sadd.s32 $0x280, s14;
	[sflag:s28] =	ssyncadd.s32 $0xFFFFE000;
	(pc) =	sbr.rel @p0 .LBB2_2-.Ltmp0, $4  }
0x85: {  	[tilespmem:s26], [sflag:$0x3] =	stream.indirect.gather [spmem:s2], $0x80, s14, s22, $0xb8;
	[tilespmem:$0x1E400] =	vst v63  }
0x86: {  	_ =	swait.ge [sflag:s4], $0x2000  }
0x87: {  	s10 =	sadd.s32 $0x1000, s10;
	s9 =	sadd.s32 $0x1000, s9;
	[sflag:s4] =	ssyncset.done $0x0  }
0x88: {  	s12 =	sadd.s32 $0x1000, s12;
	s11 =	sadd.s32 $0x1000, s11;
	[sflag:s4] =	ssyncadd.s32 $0xFFFFE000  }
0x89: {  	[hbm4b:s18+s3] =	stream.linear.scatter [tilespmem:s29], [sflag:$0x8], $0x2000, $0x38;
	[tilespmem:$0x1E400] =	vst v63  }
0x8a: {  	_ =	swait.ge [sflag:s5], $0x2000  }
0x8b: {  	[sflag:s5] =	ssyncset.done $0x0  }
0x8c: {  	s8 =	simm.s32 $0x63C0;
	[sflag:s5] =	ssyncadd.s32 $0xFFFFE000  }
0x8d: {  	[tilespmem:s29], [sflag:$0x4] =	stream.indirect.gather [spmem:s2], $0x80, s8, s22, $0xb8;
	[tilespmem:$0x1E400] =	vst v63  }
0x8e: {  	_ =	swait.ge [sflag:s30], $0x2000  }
0x8f: {  	[sflag:s30] =	ssyncset.done $0x0  }
0x90: {  	s11 =	rddreg [dreg:$0xa];
	[sflag:s30] =	ssyncadd.s32 $0xFFFFE000  }
0x91: {  	[hbm4b:s11+s3] =	stream.linear.scatter [tilespmem:s23], [sflag:$0x5], $0x2000, $0x38;
	[tilespmem:$0x1E400] =	vst v63  }
0x92: {  	_ =	swait.ge [sflag:s0], $0x2000  }
0x93: {  	[sflag:s0] =	ssyncset.done $0x0  }
0x94: {  	s12 =	rddreg [dreg:$0xb];
	[sflag:s0] =	ssyncadd.s32 $0xFFFFE000  }
0x95: {  	[hbm4b:s12+s3] =	stream.linear.scatter [tilespmem:s24], [sflag:$0x6], $0x2000, $0x38;
	[tilespmem:$0x1E400] =	vst v63  }
0x96: {  	_ =	swait.ge [sflag:s1], $0x2000  }
0x97: {  	[sflag:s1] =	ssyncset.done $0x0  }
0x98: {  	s14 =	rddreg [dreg:$0xc];
	[sflag:s1] =	ssyncadd.s32 $0xFFFFE000  }
0x99: {  	[hbm4b:s14+s3] =	stream.linear.scatter [tilespmem:s26], [sflag:$0x7], $0x2000, $0x38;
	[tilespmem:$0x1E400] =	vst v63  }
0x9a: {  	_ =	swait.ge [sflag:s4], $0x2000  }
0x9b: {  	[sflag:s4] =	ssyncset.done $0x0  }
0x9c: {  	s18 =	rddreg [dreg:$0xd];
	[sflag:s4] =	ssyncadd.s32 $0xFFFFE000  }
0x9d: {  	[hbm4b:s18+s3] =	stream.linear.scatter [tilespmem:s29], [sflag:$0x8], $0x2000, $0x38;
	[tilespmem:$0x1E400] =	vst v63  }
0x9e: {  	_ =	swait.ge [sflag:s31], $0x2000  }
0x9f: {  	[sflag:s31] =	ssyncset.done $0x0  }
0xa0: {  	[sflag:s31] =	ssyncadd.s32 $0xFFFFE000  }
0xa1: {  	_ =	swait.ge [sflag:s25], $0x2000  }
0xa2: {  	[sflag:s25] =	ssyncset.done $0x0  }
0xa3: {  	[sflag:s25] =	ssyncadd.s32 $0xFFFFE000  }
0xa4: {  	_ =	swait.ge [sflag:s28], $0x2000  }
0xa5: {  	[sflag:s28] =	ssyncset.done $0x0  }
0xa6: {  	[sflag:s28] =	ssyncadd.s32 $0xFFFFE000  }
0xa7: {  	_ =	swait.ge [sflag:s5], $0x2000  }
0xa8: {  	s7 =	sadd.s32 $0x1, s7;
	s20 =	rddreg [dreg:$0xe]  }
0xa9: {  	p0 =	sne.s32 s7, s20  }
.Ltmp1:
0xaa: {  	_ = 	snop;
	(pc) =	sbr.rel @p0 .LBB2_1-.Ltmp1, $3  }
0xab: {  	_ =	sdelay $0x1  }
0xac: {  	[sflag:s5] =	ssyncset.done $0x0  }
0xad: {  	[sflag:s5] =	ssyncadd.s32 $0xFFFFE000  }
0xae: {  	_ =	sfence.sel $0x180000  }
0xaf: {  	[bflag:$0x0] =	sbarrier.arrive $0xFFFF  }
0xb0: {  	_ =	strace $0x90000047  }
0xb1: {  	s0 =	stileid.u32;
	[bflag:$0x2] =	sbarrier.arrive $0xFFFF  }
0xb2: {  	p0 =	sne.s32 s0, $0x0;
	s0 =	rddreg [dreg:$0x4]  }
0xb3: {  	s0 =	sadd.s32 @!p0 $0x100000, s0  }
0xb4: {  	[sflag:s0] =	ssyncadd.tile.s32 @!p0 $0x1;
	_ =	shalt  }
.Lfunc_end2:
_tile_overlayer_lowered:
.L_overlay_start_2:
0xb5: {  	(tag) =	ssettag $0x2  }
0xb6: {  	s0 =	rddreg [dreg:$0x0];
	s2 =	stileid.u32  }
0xb7: {  	s1 =	rddreg [dreg:$0x1];
	p0 =	sne.s32 s2, $0x0  }
0xb8: {  	s3 =	rddreg [dreg:$0x2];
	[bflag:$0x3] =	sbarrier.arrive $0xFFFF;
	s2 =	simm.s32 @!p0 $0x1C09  }
0xb9: {  	[timem:s3], [sflag:s2] =	dma.local @!p0 [hbm:s0], s1  }
0xba: {  	s0 =	simm.s32 @!p0 $0x9  }
0xbb: {  	_ =	swait.ge @!p0 [sflag:s0], s1  }
0xbc: {  	s1 =	ssub.s32 @!p0 $0x0, s1;
	[sflag:s0] =	ssyncset.done @!p0 $0x0  }
0xbd: {  	[sflag:s0] =	ssyncadd.s32 @!p0 s1  }
0xbe: {  	[bflag:$0x3] =	sbarrier.arrive $0xFFFF  }
0xbf: {  	_ =	shalt  }

</sc_bundles>
